<compile_context>
chip_gen: v7x
topology: tpu7x:2x2x1
jax: 0.10.2.dev20260603
libtpu: 0.0.44.dev20260713+nightly
codegen_flags: <defaults>
</compile_context>

<pallas_src>
import functools

import jax
import jax.numpy as jnp
from jax import lax
from jax.experimental import pallas as pl
from jax.experimental.pallas import tpu as pltpu
from jax.experimental.pallas import tpu_sc as plsc

B = 8
N = 8192
S = 1024
K = 32
CH0 = 128
C1, C2, C3 = 32, 32, 64
R2 = 0.2 ** 2
EPSV = 1e-5
ROWS = B * S
XROWS = ROWS * K
TS = 128
MTILE = 2048
MGRID = XROWS // MTILE
NTOT = float(XROWS)

_PREC = lax.Precision.DEFAULT


def _fps_body(xyzT_ref, cpad_ref, dist_ref):
    x = xyzT_ref[0]
    y = xyzT_ref[1]
    z = xyzT_ref[2]
    col = lax.broadcasted_iota(jnp.int32, (B, N), 1)
    dist_ref[...] = jnp.full((B, N), jnp.inf, dtype=jnp.float32)

    def step(t, far):
        fm = col == far
        cx = jnp.sum(jnp.where(fm, x, 0.0), axis=1, keepdims=True)
        cy = jnp.sum(jnp.where(fm, y, 0.0), axis=1, keepdims=True)
        cz = jnp.sum(jnp.where(fm, z, 0.0), axis=1, keepdims=True)
        crow = jnp.concatenate(
            [cx[:, :, None], cy[:, :, None], cz[:, :, None],
             jnp.zeros((B, 1, 13), jnp.float32)], axis=2)
        cpad_ref[:, pl.ds(t, 1), :] = crow
        dx = x - cx
        dy = y - cy
        dz = z - cz
        d = (dx * dx + dz * dz) + dy * dy
        dn = jnp.minimum(dist_ref[...], d)
        dist_ref[...] = dn
        m = jnp.max(dn, axis=1, keepdims=True)
        far_new = jnp.min(jnp.where(dn == m, col, N), axis=1, keepdims=True)
        return far_new

    lax.fori_loop(0, S, step, jnp.zeros((B, 1), jnp.int32))


def _run_fps(xyz):
    xyzT = jnp.transpose(xyz, (2, 0, 1))
    return pl.pallas_call(
        _fps_body,
        out_shape=jax.ShapeDtypeStruct((B, S, 16), jnp.float32),
        scratch_shapes=[pltpu.VMEM((B, N), jnp.float32)],
    )(xyzT)



def _bq_body(xyzT_ref, cpad_ref, out_ref, key_ref):
    p3 = xyzT_ref[0]
    cm = cpad_ref[0][:, 0:3]
    px = p3[0:1, :]
    py = p3[1:2, :]
    pz = p3[2:3, :]
    pn2 = (px * px + pz * pz) + py * py
    cx = cm[:, 0:1]
    cy = cm[:, 1:2]
    cz = cm[:, 2:3]
    cn2 = (cx * cx + cz * cz) + cy * cy
    dmm = lax.dot_general(cm, p3, (((1,), (0,)), ((), ())),
                          precision=_PREC)
    sq = (cn2 + pn2) - 2.0 * dmm
    col = lax.broadcasted_iota(jnp.int32, (TS, N), 1)
    rowmin = jnp.min(sq, axis=1, keepdims=True)
    nearest = jnp.min(jnp.where(sq == rowmin, col, N), axis=1, keepdims=True)
    ki = lax.bitcast_convert_type(jnp.maximum(sq, 0.0), jnp.int32)
    packed = (ki & jnp.int32(-8192)) | col
    INF19 = jnp.int32(0x7F800000)
    key_ref[...] = jnp.where(sq <= R2, packed, INF19 | col)
    base = pl.program_id(0) * N
    kcol = lax.broadcasted_iota(jnp.int32, (TS, K), 1)
    DEAD = jnp.int32(0x7FFFFFFF)

    def step(k, acc):
        kv = key_ref[...]
        m = jnp.min(kv, axis=1, keepdims=True)
        sel = jnp.where(m >= INF19, nearest, m & jnp.int32(0x1FFF))
        key_ref[...] = jnp.where(kv == m, DEAD, kv)
        return jnp.where(kcol == k, sel, acc)

    acc = lax.fori_loop(0, K, step, jnp.zeros((TS, K), jnp.int32))
    out_ref[0] = acc + base


def _run_ballquery(xyz, cpad):
    xyzT = jnp.transpose(xyz, (0, 2, 1))
    return pl.pallas_call(
        _bq_body,
        grid=(B, S // TS),
        in_specs=[
            pl.BlockSpec((1, 3, N), lambda b, s: (b, 0, 0)),
            pl.BlockSpec((1, TS, 16), lambda b, s: (b, s, 0)),
        ],
        out_specs=pl.BlockSpec((1, TS, K), lambda b, s: (b, s, 0)),
        out_shape=jax.ShapeDtypeStruct((B, S, K), jnp.int32),
        scratch_shapes=[pltpu.VMEM((TS, N), jnp.int32)],
    )(xyzT, cpad)



_NW = 32
_RPW = XROWS // _NW
_GCHUNK = 256


def _sc_gather_body(table_hbm, gidx_hbm, out_hbm, idx_v, rows_v, sem):
    wid = lax.axis_index("s") * 2 + lax.axis_index("c")
    base = wid * _RPW

    def chunk(g, carry):
        off = base + g * _GCHUNK
        pltpu.sync_copy(gidx_hbm.at[pl.ds(off, _GCHUNK)], idx_v)
        pltpu.async_copy(table_hbm.at[idx_v], rows_v, sem).wait()
        pltpu.sync_copy(rows_v, out_hbm.at[pl.ds(off, _GCHUNK)])
        return carry

    lax.fori_loop(0, _RPW // _GCHUNK, chunk, 0)


def _gather_rows(table, gidx_flat):
    mesh = plsc.VectorSubcoreMesh(core_axis_name="c", subcore_axis_name="s")
    fn = functools.partial(
        pl.kernel,
        out_type=jax.ShapeDtypeStruct((XROWS, CH0), jnp.float32),
        mesh=mesh,
        scratch_types=[
            pltpu.VMEM((_GCHUNK,), jnp.int32),
            pltpu.VMEM((_GCHUNK, CH0), jnp.float32),
            pltpu.SemaphoreType.DMA,
        ],
    )(_sc_gather_body)
    return fn(table, gidx_flat)



def _stats(p_ref):
    ps = p_ref[...]
    mu = jnp.sum(ps[:, 0, :], axis=0, keepdims=True) / NTOT
    ex2 = jnp.sum(ps[:, 1, :], axis=0, keepdims=True) / NTOT
    var = ex2 - mu * mu
    inv = lax.rsqrt(var + EPSV)
    return mu, inv


def _x1_of(xc_ref, nx_ref, w1_ref):
    xc = xc_ref[...]
    cb = nx_ref[...]
    cexp = jnp.reshape(
        jnp.broadcast_to(cb[:, None, :], (MTILE // K, K, CH0)), (MTILE, CH0))
    x0 = xc - cexp
    return lax.dot_general(x0, w1_ref[...], (((1,), (1,)), ((), ())),
                           precision=_PREC)


def _norm_relu(x, p_ref, g_ref, b_ref):
    mu, inv = _stats(p_ref)
    return jnp.maximum((x - mu) * inv * g_ref[...] + b_ref[...], 0.0)


def _wr_partials(x, pout_ref):
    pout_ref[0, 0, :] = jnp.sum(x, axis=0)
    pout_ref[0, 1, :] = jnp.sum(x * x, axis=0)


def _t1_body(xc_ref, nx_ref, w1_ref, p1o_ref):
    _wr_partials(_x1_of(xc_ref, nx_ref, w1_ref), p1o_ref)


def _t2_body(xc_ref, nx_ref, w1_ref, w2_ref, g1_ref, b1_ref, p1_ref, p2o_ref):
    h1 = _norm_relu(_x1_of(xc_ref, nx_ref, w1_ref), p1_ref, g1_ref, b1_ref)
    x2 = lax.dot_general(h1, w2_ref[...], (((1,), (1,)), ((), ())),
                         precision=_PREC)
    _wr_partials(x2, p2o_ref)


def _t3_body(xc_ref, nx_ref, w1_ref, w2_ref, w3_ref, g1_ref, b1_ref,
             g2_ref, b2_ref, p1_ref, p2_ref, p3o_ref):
    h1 = _norm_relu(_x1_of(xc_ref, nx_ref, w1_ref), p1_ref, g1_ref, b1_ref)
    x2 = lax.dot_general(h1, w2_ref[...], (((1,), (1,)), ((), ())),
                         precision=_PREC)
    h2 = _norm_relu(x2, p2_ref, g2_ref, b2_ref)
    x3 = lax.dot_general(h2, w3_ref[...], (((1,), (1,)), ((), ())),
                         precision=_PREC)
    _wr_partials(x3, p3o_ref)


def _t4_body(xc_ref, nx_ref, w1_ref, w2_ref, w3_ref, g1_ref, b1_ref,
             g2_ref, b2_ref, g3_ref, b3_ref, p1_ref, p2_ref, p3_ref,
             out_ref):
    h1 = _norm_relu(_x1_of(xc_ref, nx_ref, w1_ref), p1_ref, g1_ref, b1_ref)
    x2 = lax.dot_general(h1, w2_ref[...], (((1,), (1,)), ((), ())),
                         precision=_PREC)
    h2 = _norm_relu(x2, p2_ref, g2_ref, b2_ref)
    x3 = lax.dot_general(h2, w3_ref[...], (((1,), (1,)), ((), ())),
                         precision=_PREC)
    mx = jnp.max(jnp.reshape(x3, (MTILE // K, K, C3)), axis=1)
    mu3, iv3 = _stats(p3_ref)
    out_ref[...] = jnp.maximum((mx - mu3) * iv3 * g3_ref[...] + b3_ref[...],
                               0.0)


def _run_mlp(xcat, nxp, W1p, W2, W3, g1, b1, g2, b2, g3, b3):
    g1r, b1r = g1.reshape(1, C1), b1.reshape(1, C1)
    g2r, b2r = g2.reshape(1, C2), b2.reshape(1, C2)
    g3r, b3r = g3.reshape(1, C3), b3.reshape(1, C3)

    xc_spec = pl.BlockSpec((MTILE, CH0), lambda i: (i, 0))
    nx_spec = pl.BlockSpec((MTILE // K, CH0), lambda i: (i, 0))

    def full(a):
        return pl.BlockSpec(a.shape, lambda i: tuple(0 for _ in a.shape))

    p_spec = pl.BlockSpec((1, 2, C1), lambda i: (i, 0, 0))
    p3_spec = pl.BlockSpec((1, 2, C3), lambda i: (i, 0, 0))

    p1 = pl.pallas_call(
        _t1_body, grid=(MGRID,),
        in_specs=[xc_spec, nx_spec, full(W1p)],
        out_specs=p_spec,
        out_shape=jax.ShapeDtypeStruct((MGRID, 2, C1), jnp.float32),
    )(xcat, nxp, W1p)

    p2 = pl.pallas_call(
        _t2_body, grid=(MGRID,),
        in_specs=[xc_spec, nx_spec, full(W1p), full(W2), full(g1r),
                  full(b1r), full(p1)],
        out_specs=p_spec,
        out_shape=jax.ShapeDtypeStruct((MGRID, 2, C2), jnp.float32),
    )(xcat, nxp, W1p, W2, g1r, b1r, p1)

    p3 = pl.pallas_call(
        _t3_body, grid=(MGRID,),
        in_specs=[xc_spec, nx_spec, full(W1p), full(W2), full(W3),
                  full(g1r), full(b1r), full(g2r), full(b2r), full(p1),
                  full(p2)],
        out_specs=p3_spec,
        out_shape=jax.ShapeDtypeStruct((MGRID, 2, C3), jnp.float32),
    )(xcat, nxp, W1p, W2, W3, g1r, b1r, g2r, b2r, p1, p2)

    out = pl.pallas_call(
        _t4_body, grid=(MGRID,),
        in_specs=[xc_spec, nx_spec, full(W1p), full(W2), full(W3),
                  full(g1r), full(b1r), full(g2r), full(b2r), full(g3r),
                  full(b3r), full(p1), full(p2), full(p3)],
        out_specs=pl.BlockSpec((MTILE // K, C3), lambda i: (i, 0)),
        out_shape=jax.ShapeDtypeStruct((ROWS, C3), jnp.float32),
    )(xcat, nxp, W1p, W2, W3, g1r, b1r, g2r, b2r, g3r, b3r, p1, p2, p3)
    return out


def kernel(xyz, features, W1, g1, b1, W2, g2, b2, W3, g3, b3):
    cpad = _run_fps(xyz)
    group = _run_ballquery(xyz, cpad)
    table = jnp.concatenate(
        [xyz, features, jnp.zeros((B, N, CH0 - 35), jnp.float32)],
        axis=-1).reshape(B * N, CH0)
    xcat = _gather_rows(table, group.reshape(XROWS))
    nxp = jnp.concatenate(
        [cpad.reshape(ROWS, 16), jnp.zeros((ROWS, CH0 - 16), jnp.float32)],
        axis=1)
    W1p = jnp.concatenate(
        [W1, jnp.zeros((C1, CH0 - 35), jnp.float32)], axis=1)
    feats = _run_mlp(xcat, nxp, W1p, W2, W3, g1, b1, g2, b2, g3, b3)
    new_xyz = cpad[:, :, 0:3]
    new_features = feats.reshape(B, S, C3)
    return new_xyz, new_features

# --- scband reference (transcript-rebuilt; emitter-appended) ---
"""Pipeline reference for scband-set-abstraction-27092653703823 (READ-ONLY COPY).

The authoritative reference and input builder live on the scoring server;
editing this copy changes nothing except your own understanding.
"""

import jax, jax.numpy as jnp
import numpy as np

NPOINT = 1024
RADIUS = 0.2
NSAMPLE = 32
EPS = 1e-5


def index_points(pts, idx):
    # pts: (B, N, C); idx: (B, S) or (B, S, K)
    return jax.vmap(lambda p, i: p[i])(pts, idx)


def farthest_point_sample(xyz, npoint):
    B, N, _ = xyz.shape

    def step(carry, _):
        distances, farthest = carry
        centroid = xyz[jnp.arange(B), farthest]  # (B, 3)
        dist = jnp.sum((xyz - centroid[:, None, :]) ** 2, axis=-1)
        distances = jnp.minimum(distances, dist)
        new_far = jnp.argmax(distances, axis=1).astype(jnp.int32)
        return (distances, new_far), farthest

    init = (jnp.full((B, N), jnp.inf, dtype=jnp.float32), jnp.zeros((B,), dtype=jnp.int32))
    _, cents = jax.lax.scan(step, init, None, length=npoint)
    return jnp.transpose(cents)  # (B, npoint)


def ball_query(radius, nsample, xyz, new_xyz):
    sq = (jnp.sum(new_xyz ** 2, axis=-1, keepdims=True)
          + jnp.sum(xyz ** 2, axis=-1)[:, None, :]
          - 2.0 * jnp.einsum('bsd,bnd->bsn', new_xyz, xyz))
    group_idx = jnp.argsort(sq, axis=-1)[..., :nsample]
    d = jnp.take_along_axis(sq, group_idx, axis=-1)
    mask = d > radius ** 2
    first = group_idx[..., :1]
    group_idx = jnp.where(mask, jnp.broadcast_to(first, group_idx.shape), group_idx)
    return group_idx


def setup_inputs(seed: int = 0):
    key = jax.random.key(seed)
    ks = jax.random.split(key, 12)
    xyz = jax.random.normal(ks[0], (8, 8192, 3), dtype=jnp.float32)
    features = jax.random.normal(ks[1], (8, 8192, 32), dtype=jnp.float32)
    chans = [35, 32, 32, 64]
    out = {'xyz': xyz, 'features': features}
    for i in range(3):
        out[f'W{i + 1}'] = jax.random.normal(ks[2 + 3 * i], (chans[i + 1], chans[i]), dtype=jnp.float32) / np.sqrt(chans[i])
        out[f'g{i + 1}'] = jnp.ones((chans[i + 1],), dtype=jnp.float32)
        out[f'b{i + 1}'] = jnp.zeros((chans[i + 1],), dtype=jnp.float32)
    return out


def reference(xyz, features, W1, g1, b1, W2, g2, b2, W3, g3, b3):
    fps_idx = farthest_point_sample(xyz, NPOINT)
    new_xyz = index_points(xyz, fps_idx)  # (B, S, 3)
    group_idx = ball_query(RADIUS, NSAMPLE, xyz, new_xyz)  # (B, S, K)
    grouped_xyz = index_points(xyz, group_idx) - new_xyz[:, :, None, :]
    grouped_feat = index_points(features, group_idx)
    x = jnp.concatenate([grouped_xyz, grouped_feat], axis=-1)  # (B, S, K, 35)
    for W, g, b in ((W1, g1, b1), (W2, g2, b2), (W3, g3, b3)):
        x = jnp.einsum('bski,oi->bsko', x, W)
        mu = jnp.mean(x, axis=(0, 1, 2))
        var = jnp.var(x, axis=(0, 1, 2))
        x = (x - mu) / jnp.sqrt(var + EPS) * g + b
        x = jax.nn.relu(x)
    new_features = jnp.max(x, axis=2)  # (B, S, 64)
    return new_xyz, new_features

if __name__ == "__main__":
    import jax
    _d = setup_inputs()
    print(jax.jit(kernel)(*tuple(_d.values())))

</pallas_src>

<mosaic_0001>
#map = affine_map<(d0, d1) -> (0, 0)>
#map1 = affine_map<(d0, d1) -> (0)>
module attributes {stable_mosaic.version = 14 : i64} {
  func.func @_sc_gather_body(%arg0: i32, %arg1: i32, %arg2: memref<65536x128xf32, #tpu.memory_space<hbm>>, %arg3: memref<262144xi32, #tpu.memory_space<hbm>>, %arg4: memref<262144x128xf32, #tpu.memory_space<hbm>>, %arg5: memref<256xi32, #tpu.memory_space<vmem>>, %arg6: memref<256x128xf32, #tpu.memory_space<vmem>>, %arg7: memref<!tpu.dma_semaphore, #tpu.memory_space<semaphore_mem>>) attributes {dimension_semantics = [#tpu.dimension_semantics<core_parallel>, #tpu.dimension_semantics<subcore_parallel>], iteration_bounds = array<i64: 2, 16>, scalar_prefetch = 0 : i64, scratch_operands = 3 : i64, tpu.core_type = #tpu.core_type<sc_vector_subcore>, window_params = [{transform_indices = #map}, {transform_indices = #map1}, {transform_indices = #map}]} {
    %mul3A = arith.constant 2 : i32
    %mul3A_0 = arith.muli %arg1, %mul3A : i32
    %add3A = arith.addi %mul3A_0, %arg0 : i32
    %mul3A_1 = arith.constant 8192 : i32
    %mul3A_2 = arith.muli %add3A, %mul3A_1 : i32
    %scan3A = arith.constant 0 : i32
    %scan3A_3 = arith.constant 0 : i32
    %scan3A_4 = arith.constant 32 : i32
    %scan3A_5 = arith.addi %scan3A_3, %scan3A_4 : i32
    %scan3A_6 = arith.constant 1 : i32
    scf.for %scan3A_8 = %scan3A_3 to %scan3A_5 step %scan3A_6  : i32 {
      %mul3A_9 = arith.constant 256 : i32
      %mul3A_10 = arith.muli %scan3A_8, %mul3A_9 : i32
      %add3A_11 = arith.addi %mul3A_2, %mul3A_10 : i32
      "tpu.region"() ({
        %run_scoped3A = tpu.sem_alloc : memref<!tpu.dma_semaphore, #tpu.memory_space<semaphore_mem>>
        %dma_start3A_16 = tpu.memref_slice %arg3[%add3A_11] : memref<262144xi32, #tpu.memory_space<hbm>> -> memref<256xi32, #tpu.memory_space<hbm>>
        %dma_start3A_17 = tpu.memref_slice %arg3[%add3A_11] : memref<262144xi32, #tpu.memory_space<hbm>> -> memref<256xi32, #tpu.memory_space<hbm>>
        tpu.enqueue_dma source(%dma_start3A_17 : memref<256xi32, #tpu.memory_space<hbm>>) target(%arg5 : memref<256xi32, #tpu.memory_space<vmem>>) target_semaphore(%run_scoped3A : memref<!tpu.dma_semaphore, #tpu.memory_space<semaphore_mem>>)
        %dma_wait3A_18 = tpu.memref_slice %arg3[%add3A_11] : memref<262144xi32, #tpu.memory_space<hbm>> -> memref<256xi32, #tpu.memory_space<hbm>>
        %dma_wait3A_19 = tpu.memref_slice %arg3[%add3A_11] : memref<262144xi32, #tpu.memory_space<hbm>> -> memref<256xi32, #tpu.memory_space<hbm>>
        tpu.wait_dma2 semaphore(%run_scoped3A : memref<!tpu.dma_semaphore, #tpu.memory_space<semaphore_mem>>) src(%dma_wait3A_19 : memref<256xi32, #tpu.memory_space<hbm>>) dst(%arg5 : memref<256xi32, #tpu.memory_space<vmem>>)
        tpu.yield
      }) : () -> ()
      %dma_start3A = arith.constant 0 : i32
      %dma_start3A_12 = arith.constant 0 : i32
      %dma_start3A_13 = tpu.memref_slice %arg2[%dma_start3A, %dma_start3A_12] : memref<65536x128xf32, #tpu.memory_space<hbm>> -> memref<65536x128xf32, #tpu.memory_space<hbm>>
      tpu.enqueue_indirect_dma source(%dma_start3A_13 : memref<65536x128xf32, #tpu.memory_space<hbm>>) target(%arg6 : memref<256x128xf32, #tpu.memory_space<vmem>>) offsets(%arg5 : memref<256xi32, #tpu.memory_space<vmem>>) semaphore(%arg7 : memref<!tpu.dma_semaphore, #tpu.memory_space<semaphore_mem>>)
      %dma_wait3A = arith.constant 0 : i32
      %dma_wait3A_14 = arith.constant 0 : i32
      %dma_wait3A_15 = tpu.memref_slice %arg2[%dma_wait3A, %dma_wait3A_14] : memref<65536x128xf32, #tpu.memory_space<hbm>> -> memref<65536x128xf32, #tpu.memory_space<hbm>>
      tpu.wait_indirect_dma semaphore(%arg7 : memref<!tpu.dma_semaphore, #tpu.memory_space<semaphore_mem>>) src(%dma_wait3A_15 : memref<65536x128xf32, #tpu.memory_space<hbm>>) dst(%arg6 : memref<256x128xf32, #tpu.memory_space<vmem>>)
      "tpu.region"() ({
        %run_scoped3A = tpu.sem_alloc : memref<!tpu.dma_semaphore, #tpu.memory_space<semaphore_mem>>
        %dma_start3A_16 = arith.constant 0 : i32
        %dma_start3A_17 = tpu.memref_slice %arg4[%add3A_11, %dma_start3A_16] : memref<262144x128xf32, #tpu.memory_space<hbm>> -> memref<256x128xf32, #tpu.memory_space<hbm>>
        %dma_start3A_18 = arith.constant 0 : i32
        %dma_start3A_19 = tpu.memref_slice %arg4[%add3A_11, %dma_start3A_18] : memref<262144x128xf32, #tpu.memory_space<hbm>> -> memref<256x128xf32, #tpu.memory_space<hbm>>
        tpu.enqueue_dma source(%arg6 : memref<256x128xf32, #tpu.memory_space<vmem>>) target(%dma_start3A_19 : memref<256x128xf32, #tpu.memory_space<hbm>>) target_semaphore(%run_scoped3A : memref<!tpu.dma_semaphore, #tpu.memory_space<semaphore_mem>>)
        %dma_wait3A_20 = arith.constant 0 : i32
        %dma_wait3A_21 = tpu.memref_slice %arg4[%add3A_11, %dma_wait3A_20] : memref<262144x128xf32, #tpu.memory_space<hbm>> -> memref<256x128xf32, #tpu.memory_space<hbm>>
        %dma_wait3A_22 = arith.constant 0 : i32
        %dma_wait3A_23 = tpu.memref_slice %arg4[%add3A_11, %dma_wait3A_22] : memref<262144x128xf32, #tpu.memory_space<hbm>> -> memref<256x128xf32, #tpu.memory_space<hbm>>
        tpu.wait_dma2 semaphore(%run_scoped3A : memref<!tpu.dma_semaphore, #tpu.memory_space<semaphore_mem>>) src(%arg6 : memref<256x128xf32, #tpu.memory_space<vmem>>) dst(%dma_wait3A_23 : memref<256x128xf32, #tpu.memory_space<hbm>>)
        tpu.yield
      }) : () -> ()
    }
    %scan3A_7 = arith.constant 32 : i32
    return
  }
}

module attributes {stable_mosaic.version = 14 : i64} {
  func.func @_bq_body(%arg0: i32, %arg1: i32, %arg2: memref<1x3x8192xf32, #tpu.memory_space<vmem>>, %arg3: memref<1x128x16xf32, #tpu.memory_space<vmem>>, %arg4: memref<1x128x32xi32, #tpu.memory_space<vmem>>, %arg5: memref<128x8192xi32, #tpu.memory_space<vmem>>) attributes {dimension_semantics = [#tpu.dimension_semantics<arbitrary>, #tpu.dimension_semantics<arbitrary>], iteration_bounds = array<i64: 8, 8>, scalar_prefetch = 0 : i64, scratch_operands = 1 : i64, tpu.core_type = #tpu.core_type<tc>, window_params = [{transform_indices = @transform_0, window_bounds = array<i64: 1, 3, 8192>}, {transform_indices = @transform_1, window_bounds = array<i64: 1, 128, 16>}, {transform_indices = @transform_2, window_bounds = array<i64: 1, 128, 32>}]} {
    %get3A = arith.constant 0 : index
    %get3A_0 = arith.constant 0 : index
    %get3A_1 = arith.constant 0 : index
    %get3A_2 = vector.load %arg2[%get3A, %get3A_0, %get3A_1] : memref<1x3x8192xf32, #tpu.memory_space<vmem>>, vector<1x3x8192xf32>
    %get3A_3 = vector.shape_cast %get3A_2 : vector<1x3x8192xf32> to vector<3x8192xf32>
    %get3A_4 = arith.constant 0 : index
    %get3A_5 = arith.constant 0 : index
    %get3A_6 = arith.constant 0 : index
    %get3A_7 = vector.load %arg3[%get3A_4, %get3A_5, %get3A_6] : memref<1x128x16xf32, #tpu.memory_space<vmem>>, vector<1x128x16xf32>
    %get3A_8 = vector.shape_cast %get3A_7 : vector<1x128x16xf32> to vector<128x16xf32>
    %slice3A = vector.extract_strided_slice %get3A_8 {offsets = [0, 0], sizes = [128, 3], strides = [1, 1]} : vector<128x16xf32> to vector<128x3xf32>
    %slice3A_9 = vector.extract_strided_slice %get3A_3 {offsets = [0, 0], sizes = [1, 8192], strides = [1, 1]} : vector<3x8192xf32> to vector<1x8192xf32>
    %slice3A_10 = vector.extract_strided_slice %get3A_3 {offsets = [1, 0], sizes = [1, 8192], strides = [1, 1]} : vector<3x8192xf32> to vector<1x8192xf32>
    %slice3A_11 = vector.extract_strided_slice %get3A_3 {offsets = [2, 0], sizes = [1, 8192], strides = [1, 1]} : vector<3x8192xf32> to vector<1x8192xf32>
    %mul3A = arith.mulf %slice3A_9, %slice3A_9 : vector<1x8192xf32>
    %mul3A_12 = arith.mulf %slice3A_11, %slice3A_11 : vector<1x8192xf32>
    %add3A = arith.addf %mul3A, %mul3A_12 : vector<1x8192xf32>
    %mul3A_13 = arith.mulf %slice3A_10, %slice3A_10 : vector<1x8192xf32>
    %add3A_14 = arith.addf %add3A, %mul3A_13 : vector<1x8192xf32>
    %slice3A_15 = vector.extract_strided_slice %slice3A {offsets = [0, 0], sizes = [128, 1], strides = [1, 1]} : vector<128x3xf32> to vector<128x1xf32>
    %slice3A_16 = vector.extract_strided_slice %slice3A {offsets = [0, 1], sizes = [128, 1], strides = [1, 1]} : vector<128x3xf32> to vector<128x1xf32>
    %slice3A_17 = vector.extract_strided_slice %slice3A {offsets = [0, 2], sizes = [128, 1], strides = [1, 1]} : vector<128x3xf32> to vector<128x1xf32>
    %mul3A_18 = arith.mulf %slice3A_15, %slice3A_15 : vector<128x1xf32>
    %mul3A_19 = arith.mulf %slice3A_17, %slice3A_17 : vector<128x1xf32>
    %add3A_20 = arith.addf %mul3A_18, %mul3A_19 : vector<128x1xf32>
    %mul3A_21 = arith.mulf %slice3A_16, %slice3A_16 : vector<128x1xf32>
    %add3A_22 = arith.addf %add3A_20, %mul3A_21 : vector<128x1xf32>
    %dot_general3A = arith.constant dense<0.000000e+00> : vector<128x8192xf32>
    %dot_general3A_23 = tpu.matmul %slice3A, %get3A_3, %dot_general3A {dimension_numbers = #tpu.dot_dimension_numbers<[1], [0], [0], [1], [0, 0, 1, 1], [], []>, transpose_lhs_hint = false} : vector<128x3xf32>, vector<3x8192xf32>, vector<128x8192xf32> -> vector<128x8192xf32>
    %add3A_24 = vector.broadcast %add3A_22 : vector<128x1xf32> to vector<128x8192xf32>
    %add3A_25 = vector.broadcast %add3A_14 : vector<1x8192xf32> to vector<128x8192xf32>
    %add3A_26 = arith.addf %add3A_24, %add3A_25 : vector<128x8192xf32>
    %mul3A_27 = arith.constant 2.000000e+00 : f32
    %mul3A_28 = vector.broadcast %mul3A_27 : f32 to vector<128x8192xf32>
    %mul3A_29 = arith.mulf %mul3A_28, %dot_general3A_23 : vector<128x8192xf32>
    %sub3A = arith.subf %add3A_26, %mul3A_29 : vector<128x8192xf32>
    %iota3A = tpu.iota {dimensions = array<i32: 1>} : vector<128x8192xi32>
    %reduce_min3A = arith.constant dense<0x7F800000> : vector<128xf32>
    %reduce_min3A_30 = vector.multi_reduction <minimumf>, %sub3A, %reduce_min3A [1] : vector<128x8192xf32> to vector<128xf32>
    %broadcast_in_dim3A = vector.shape_cast %reduce_min3A_30 : vector<128xf32> to vector<128x1xf32>
    %eq3A = vector.broadcast %broadcast_in_dim3A : vector<128x1xf32> to vector<128x8192xf32>
    %eq3A_31 = arith.cmpf oeq, %sub3A, %eq3A : vector<128x8192xf32>
    %jit3A = arith.constant 8192 : i32
    %broadcast_in_dim3A_32 = vector.broadcast %jit3A : i32 to vector<128x8192xi32>
    %select_n3A = arith.select %eq3A_31, %iota3A, %broadcast_in_dim3A_32 : vector<128x8192xi1>, vector<128x8192xi32>
    %reduce_min3A_33 = arith.constant dense<2147483647> : vector<128xi32>
    %reduce_min3A_34 = vector.multi_reduction <minsi>, %select_n3A, %reduce_min3A_33 [1] : vector<128x8192xi32> to vector<128xi32>
    %broadcast_in_dim3A_35 = vector.shape_cast %reduce_min3A_34 : vector<128xi32> to vector<128x1xi32>
    %max3A = arith.constant 0.000000e+00 : f32
    %max3A_36 = vector.broadcast %max3A : f32 to vector<128x8192xf32>
    %max3A_37 = arith.maximumf %sub3A, %max3A_36 : vector<128x8192xf32>
    %bitcast_convert_type3A = tpu.bitcast %max3A_37 : vector<128x8192xf32> -> vector<128x8192xi32>
    %and3A = arith.constant -8192 : i32
    %and3A_38 = vector.broadcast %and3A : i32 to vector<128x8192xi32>
    %and3A_39 = arith.andi %bitcast_convert_type3A, %and3A_38 : vector<128x8192xi32>
    %or3A = arith.ori %and3A_39, %iota3A : vector<128x8192xi32>
    %le3A = arith.constant 4.000000e-02 : f32
    %le3A_40 = vector.broadcast %le3A : f32 to vector<128x8192xf32>
    %le3A_41 = arith.cmpf ole, %sub3A, %le3A_40 : vector<128x8192xf32>
    %or3A_42 = arith.constant 2139095040 : i32
    %or3A_43 = vector.broadcast %or3A_42 : i32 to vector<128x8192xi32>
    %or3A_44 = arith.ori %or3A_43, %iota3A : vector<128x8192xi32>
    %select_n3A_45 = arith.select %le3A_41, %or3A, %or3A_44 : vector<128x8192xi1>, vector<128x8192xi32>
    %swap3A = arith.constant 0 : index
    %swap3A_46 = arith.constant 0 : index
    %swap3A_47 = vector.load %arg5[%swap3A, %swap3A_46] : memref<128x8192xi32, #tpu.memory_space<vmem>>, vector<128x8192xi32>
    tpu.vector_store %arg5[%swap3A, %swap3A_46], %select_n3A_45 {strides = array<i32>} : memref<128x8192xi32, #tpu.memory_space<vmem>>, vector<128x8192xi32>,
    %mul3A_48 = arith.constant 8192 : i32
    %mul3A_49 = arith.muli %arg0, %mul3A_48 : i32
    %iota3A_50 = tpu.iota {dimensions = array<i32: 1>} : vector<128x32xi32>
    %broadcast_in_dim3A_51 = arith.constant 0 : i32
    %broadcast_in_dim3A_52 = vector.broadcast %broadcast_in_dim3A_51 : i32 to vector<128x32xi32>
    %scan3A = arith.constant 2139095040 : i32
    %scan3A_53 = arith.constant 2147483647 : i32
    %scan3A_54 = arith.constant 0 : i32
    %scan3A_55 = arith.constant 32 : i32
    %scan3A_56 = arith.addi %scan3A_54, %scan3A_55 : i32
    %scan3A_57 = arith.constant 1 : i32
    %scan3A_58 = scf.for %scan3A_68 = %scan3A_54 to %scan3A_56 step %scan3A_57 iter_args(%scan3A_69 = %broadcast_in_dim3A_52) -> (vector<128x32xi32>)  : i32 {
      %get3A_70 = arith.constant 0 : index
      %get3A_71 = arith.constant 0 : index
      %get3A_72 = vector.load %arg5[%get3A_70, %get3A_71] : memref<128x8192xi32, #tpu.memory_space<vmem>>, vector<128x8192xi32>
      %reduce_min3A_73 = arith.constant dense<2147483647> : vector<128xi32>
      %reduce_min3A_74 = vector.multi_reduction <minsi>, %get3A_72, %reduce_min3A_73 [1] : vector<128x8192xi32> to vector<128xi32>
      %broadcast_in_dim3A_75 = vector.shape_cast %reduce_min3A_74 : vector<128xi32> to vector<128x1xi32>
      %ge3A = vector.broadcast %scan3A : i32 to vector<128x1xi32>
      %ge3A_76 = arith.cmpi sge, %broadcast_in_dim3A_75, %ge3A : vector<128x1xi32>
      %and3A_77 = arith.constant 8191 : i32
      %and3A_78 = vector.broadcast %and3A_77 : i32 to vector<128x1xi32>
      %and3A_79 = arith.andi %broadcast_in_dim3A_75, %and3A_78 : vector<128x1xi32>
      %select_n3A_80 = arith.select %ge3A_76, %broadcast_in_dim3A_35, %and3A_79 : vector<128x1xi1>, vector<128x1xi32>
      %eq3A_81 = vector.broadcast %broadcast_in_dim3A_75 : vector<128x1xi32> to vector<128x8192xi32>
      %eq3A_82 = arith.cmpi eq, %get3A_72, %eq3A_81 : vector<128x8192xi32>
      %broadcast_in_dim3A_83 = vector.broadcast %scan3A_53 : i32 to vector<128x8192xi32>
      %select_n3A_84 = arith.select %eq3A_82, %broadcast_in_dim3A_83, %get3A_72 : vector<128x8192xi1>, vector<128x8192xi32>
      %swap3A_85 = arith.constant 0 : index
      %swap3A_86 = arith.constant 0 : index
      %swap3A_87 = vector.load %arg5[%swap3A_85, %swap3A_86] : memref<128x8192xi32, #tpu.memory_space<vmem>>, vector<128x8192xi32>
      tpu.vector_store %arg5[%swap3A_85, %swap3A_86], %select_n3A_84 {strides = array<i32>} : memref<128x8192xi32, #tpu.memory_space<vmem>>, vector<128x8192xi32>,
      %eq3A_88 = vector.broadcast %scan3A_68 : i32 to vector<128x32xi32>
      %eq3A_89 = arith.cmpi eq, %iota3A_50, %eq3A_88 : vector<128x32xi32>
      %broadcast_in_dim3A_90 = vector.shape_cast %select_n3A_80 : vector<128x1xi32> to vector<128x1xi32>
      %broadcast_in_dim3A_91 = vector.broadcast %broadcast_in_dim3A_90 : vector<128x1xi32> to vector<128x32xi32>
      %select_n3A_92 = arith.select %eq3A_89, %broadcast_in_dim3A_91, %scan3A_69 : vector<128x32xi1>, vector<128x32xi32>
      scf.yield %select_n3A_92 : vector<128x32xi32>
    }
    %scan3A_59 = arith.constant 32 : i32
    %add3A_60 = vector.broadcast %mul3A_49 : i32 to vector<128x32xi32>
    %add3A_61 = arith.addi %scan3A_58, %add3A_60 : vector<128x32xi32>
    %swap3A_62 = arith.constant 0 : index
    %swap3A_63 = arith.constant 0 : index
    %swap3A_64 = arith.constant 0 : index
    %swap3A_65 = vector.load %arg4[%swap3A_62, %swap3A_63, %swap3A_64] : memref<1x128x32xi32, #tpu.memory_space<vmem>>, vector<1x128x32xi32>
    %swap3A_66 = vector.shape_cast %swap3A_65 : vector<1x128x32xi32> to vector<128x32xi32>
    %swap3A_67 = vector.shape_cast %add3A_61 : vector<128x32xi32> to vector<1x128x32xi32>
    tpu.vector_store %arg4[%swap3A_62, %swap3A_63, %swap3A_64], %swap3A_67 {strides = array<i32>} : memref<1x128x32xi32, #tpu.memory_space<vmem>>, vector<1x128x32xi32>,
    return
  }
  func.func @transform_0(%arg0: i32, %arg1: i32) -> (i32, i32, i32) {
    %c0_i32 = arith.constant 0 : i32
    %c0_i32_0 = arith.constant 0 : i32
    %c0_i32_1 = arith.constant 0 : i32
    return %arg0, %c0_i32, %c0_i32_0 : i32, i32, i32
  }
  func.func @transform_1(%arg0: i32, %arg1: i32) -> (i32, i32, i32) {
    %c0_i32 = arith.constant 0 : i32
    %c0_i32_0 = arith.constant 0 : i32
    return %arg0, %arg1, %c0_i32 : i32, i32, i32
  }
  func.func @transform_2(%arg0: i32, %arg1: i32) -> (i32, i32, i32) {
    %c0_i32 = arith.constant 0 : i32
    %c0_i32_0 = arith.constant 0 : i32
    return %arg0, %arg1, %c0_i32 : i32, i32, i32
  }
}

module attributes {stable_mosaic.version = 14 : i64} {
  func.func @_fps_body(%arg0: memref<3x8x8192xf32, #tpu.memory_space<vmem>>, %arg1: memref<8x1024x16xf32, #tpu.memory_space<vmem>>, %arg2: memref<8x8192xf32, #tpu.memory_space<vmem>>) attributes {dimension_semantics = [], scalar_prefetch = 0 : i64, scratch_operands = 1 : i64, tpu.core_type = #tpu.core_type<tc>} {
    %get3A = arith.constant 0 : index
    %get3A_0 = arith.constant 0 : index
    %get3A_1 = arith.constant 0 : index
    %get3A_2 = vector.load %arg0[%get3A, %get3A_0, %get3A_1] : memref<3x8x8192xf32, #tpu.memory_space<vmem>>, vector<1x8x8192xf32>
    %get3A_3 = vector.shape_cast %get3A_2 : vector<1x8x8192xf32> to vector<8x8192xf32>
    %get3A_4 = arith.constant 1 : index
    %get3A_5 = arith.constant 0 : index
    %get3A_6 = arith.constant 0 : index
    %get3A_7 = vector.load %arg0[%get3A_4, %get3A_5, %get3A_6] : memref<3x8x8192xf32, #tpu.memory_space<vmem>>, vector<1x8x8192xf32>
    %get3A_8 = vector.shape_cast %get3A_7 : vector<1x8x8192xf32> to vector<8x8192xf32>
    %get3A_9 = arith.constant 2 : index
    %get3A_10 = arith.constant 0 : index
    %get3A_11 = arith.constant 0 : index
    %get3A_12 = vector.load %arg0[%get3A_9, %get3A_10, %get3A_11] : memref<3x8x8192xf32, #tpu.memory_space<vmem>>, vector<1x8x8192xf32>
    %get3A_13 = vector.shape_cast %get3A_12 : vector<1x8x8192xf32> to vector<8x8192xf32>
    %iota3A = tpu.iota {dimensions = array<i32: 1>} : vector<8x8192xi32>
    %broadcast_in_dim3A = arith.constant 0x7F800000 : f32
    %broadcast_in_dim3A_14 = vector.broadcast %broadcast_in_dim3A : f32 to vector<8x8192xf32>
    %swap3A = arith.constant 0 : index
    %swap3A_15 = arith.constant 0 : index
    %swap3A_16 = vector.load %arg2[%swap3A, %swap3A_15] : memref<8x8192xf32, #tpu.memory_space<vmem>>, vector<8x8192xf32>
    tpu.vector_store %arg2[%swap3A, %swap3A_15], %broadcast_in_dim3A_14 {strides = array<i32>} : memref<8x8192xf32, #tpu.memory_space<vmem>>, vector<8x8192xf32>,
    %broadcast_in_dim3A_17 = arith.constant 0 : i32
    %broadcast_in_dim3A_18 = vector.broadcast %broadcast_in_dim3A_17 : i32 to vector<8x1xi32>
    %scan3A = arith.constant 0 : i32
    %scan3A_19 = arith.constant 1024 : i32
    %scan3A_20 = arith.addi %scan3A, %scan3A_19 : i32
    %scan3A_21 = arith.constant 1 : i32
    %scan3A_22 = scf.for %scan3A_24 = %scan3A to %scan3A_20 step %scan3A_21 iter_args(%scan3A_25 = %broadcast_in_dim3A_18) -> (vector<8x1xi32>)  : i32 {
      %eq3A = vector.broadcast %scan3A_25 : vector<8x1xi32> to vector<8x8192xi32>
      %eq3A_26 = arith.cmpi eq, %iota3A, %eq3A : vector<8x8192xi32>
      %jit3A = arith.constant 0.000000e+00 : f32
      %broadcast_in_dim3A_27 = vector.broadcast %jit3A : f32 to vector<8x8192xf32>
      %select_n3A = arith.select %eq3A_26, %get3A_3, %broadcast_in_dim3A_27 : vector<8x8192xi1>, vector<8x8192xf32>
      %reduce_sum3A = arith.constant dense<0.000000e+00> : vector<8xf32>
      %reduce_sum3A_28 = vector.multi_reduction <add>, %select_n3A, %reduce_sum3A [1] : vector<8x8192xf32> to vector<8xf32>
      %broadcast_in_dim3A_29 = vector.shape_cast %reduce_sum3A_28 : vector<8xf32> to vector<8x1xf32>
      %jit3A_30 = arith.constant 0.000000e+00 : f32
      %broadcast_in_dim3A_31 = vector.broadcast %jit3A_30 : f32 to vector<8x8192xf32>
      %select_n3A_32 = arith.select %eq3A_26, %get3A_8, %broadcast_in_dim3A_31 : vector<8x8192xi1>, vector<8x8192xf32>
      %reduce_sum3A_33 = arith.constant dense<0.000000e+00> : vector<8xf32>
      %reduce_sum3A_34 = vector.multi_reduction <add>, %select_n3A_32, %reduce_sum3A_33 [1] : vector<8x8192xf32> to vector<8xf32>
      %broadcast_in_dim3A_35 = vector.shape_cast %reduce_sum3A_34 : vector<8xf32> to vector<8x1xf32>
      %jit3A_36 = arith.constant 0.000000e+00 : f32
      %broadcast_in_dim3A_37 = vector.broadcast %jit3A_36 : f32 to vector<8x8192xf32>
      %select_n3A_38 = arith.select %eq3A_26, %get3A_13, %broadcast_in_dim3A_37 : vector<8x8192xi1>, vector<8x8192xf32>
      %reduce_sum3A_39 = arith.constant dense<0.000000e+00> : vector<8xf32>
      %reduce_sum3A_40 = vector.multi_reduction <add>, %select_n3A_38, %reduce_sum3A_39 [1] : vector<8x8192xf32> to vector<8xf32>
      %broadcast_in_dim3A_41 = vector.shape_cast %reduce_sum3A_40 : vector<8xf32> to vector<8x1xf32>
      %broadcast_in_dim3A_42 = vector.shape_cast %broadcast_in_dim3A_29 : vector<8x1xf32> to vector<8x1x1xf32>
      %broadcast_in_dim3A_43 = vector.shape_cast %broadcast_in_dim3A_35 : vector<8x1xf32> to vector<8x1x1xf32>
      %broadcast_in_dim3A_44 = vector.shape_cast %broadcast_in_dim3A_41 : vector<8x1xf32> to vector<8x1x1xf32>
      %broadcast_in_dim3A_45 = arith.constant 0.000000e+00 : f32
      %broadcast_in_dim3A_46 = vector.broadcast %broadcast_in_dim3A_45 : f32 to vector<8x1x13xf32>
      %concatenate3A = tpu.concatenate %broadcast_in_dim3A_42, %broadcast_in_dim3A_43, %broadcast_in_dim3A_44, %broadcast_in_dim3A_46 in 2 : vector<8x1x1xf32>, vector<8x1x1xf32>, vector<8x1x1xf32>, vector<8x1x13xf32> -> vector<8x1x16xf32>
      %swap3A_47 = arith.constant 0 : index
      %swap3A_48 = arith.index_cast %scan3A_24 : i32 to index
      %swap3A_49 = arith.constant 0 : index
      %swap3A_50 = vector.load %arg1[%swap3A_47, %swap3A_48, %swap3A_49] : memref<8x1024x16xf32, #tpu.memory_space<vmem>>, vector<8x1x16xf32>
      tpu.vector_store %arg1[%swap3A_47, %swap3A_48, %swap3A_49], %concatenate3A {strides = array<i32>} : memref<8x1024x16xf32, #tpu.memory_space<vmem>>, vector<8x1x16xf32>,
      %sub3A = vector.broadcast %broadcast_in_dim3A_29 : vector<8x1xf32> to vector<8x8192xf32>
      %sub3A_51 = arith.subf %get3A_3, %sub3A : vector<8x8192xf32>
      %sub3A_52 = vector.broadcast %broadcast_in_dim3A_35 : vector<8x1xf32> to vector<8x8192xf32>
      %sub3A_53 = arith.subf %get3A_8, %sub3A_52 : vector<8x8192xf32>
      %sub3A_54 = vector.broadcast %broadcast_in_dim3A_41 : vector<8x1xf32> to vector<8x8192xf32>
      %sub3A_55 = arith.subf %get3A_13, %sub3A_54 : vector<8x8192xf32>
      %mul3A = arith.mulf %sub3A_51, %sub3A_51 : vector<8x8192xf32>
      %mul3A_56 = arith.mulf %sub3A_55, %sub3A_55 : vector<8x8192xf32>
      %add3A = arith.addf %mul3A, %mul3A_56 : vector<8x8192xf32>
      %mul3A_57 = arith.mulf %sub3A_53, %sub3A_53 : vector<8x8192xf32>
      %add3A_58 = arith.addf %add3A, %mul3A_57 : vector<8x8192xf32>
      %get3A_59 = arith.constant 0 : index
      %get3A_60 = arith.constant 0 : index
      %get3A_61 = vector.load %arg2[%get3A_59, %get3A_60] : memref<8x8192xf32, #tpu.memory_space<vmem>>, vector<8x8192xf32>
      %min3A = arith.minimumf %get3A_61, %add3A_58 : vector<8x8192xf32>
      %swap3A_62 = arith.constant 0 : index
      %swap3A_63 = arith.constant 0 : index
      %swap3A_64 = vector.load %arg2[%swap3A_62, %swap3A_63] : memref<8x8192xf32, #tpu.memory_space<vmem>>, vector<8x8192xf32>
      tpu.vector_store %arg2[%swap3A_62, %swap3A_63], %min3A {strides = array<i32>} : memref<8x8192xf32, #tpu.memory_space<vmem>>, vector<8x8192xf32>,
      %reduce_max3A = arith.constant dense<0xFF800000> : vector<8xf32>
      %reduce_max3A_65 = vector.multi_reduction <maximumf>, %min3A, %reduce_max3A [1] : vector<8x8192xf32> to vector<8xf32>
      %broadcast_in_dim3A_66 = vector.shape_cast %reduce_max3A_65 : vector<8xf32> to vector<8x1xf32>
      %eq3A_67 = vector.broadcast %broadcast_in_dim3A_66 : vector<8x1xf32> to vector<8x8192xf32>
      %eq3A_68 = arith.cmpf oeq, %min3A, %eq3A_67 : vector<8x8192xf32>
      %jit3A_69 = arith.constant 8192 : i32
      %broadcast_in_dim3A_70 = vector.broadcast %jit3A_69 : i32 to vector<8x8192xi32>
      %select_n3A_71 = arith.select %eq3A_68, %iota3A, %broadcast_in_dim3A_70 : vector<8x8192xi1>, vector<8x8192xi32>
      %reduce_min3A = arith.constant dense<2147483647> : vector<8xi32>
      %reduce_min3A_72 = vector.multi_reduction <minsi>, %select_n3A_71, %reduce_min3A [1] : vector<8x8192xi32> to vector<8xi32>
      %broadcast_in_dim3A_73 = vector.shape_cast %reduce_min3A_72 : vector<8xi32> to vector<8x1xi32>
      scf.yield %broadcast_in_dim3A_73 : vector<8x1xi32>
    }
    %scan3A_23 = arith.constant 1024 : i32
    return
  }
}

module attributes {stable_mosaic.version = 14 : i64} {
  func.func @_t1_body(%arg0: i32, %arg1: memref<2048x128xf32, #tpu.memory_space<vmem>>, %arg2: memref<64x128xf32, #tpu.memory_space<vmem>>, %arg3: memref<32x128xf32, #tpu.memory_space<vmem>>, %arg4: memref<1x2x32xf32, #tpu.memory_space<vmem>>) attributes {dimension_semantics = [#tpu.dimension_semantics<arbitrary>], iteration_bounds = array<i64: 128>, scalar_prefetch = 0 : i64, scratch_operands = 0 : i64, tpu.core_type = #tpu.core_type<tc>, window_params = [{transform_indices = @transform_0, window_bounds = array<i64: 2048, 128>}, {transform_indices = @transform_1, window_bounds = array<i64: 64, 128>}, {pipeline_mode = #tpu.pipeline_mode<synchronous>, transform_indices = @transform_2, window_bounds = array<i64: 32, 128>}, {transform_indices = @transform_3, window_bounds = array<i64: 1, 2, 32>}]} {
    %get3A = arith.constant 0 : index
    %get3A_0 = arith.constant 0 : index
    %get3A_1 = vector.load %arg1[%get3A, %get3A_0] : memref<2048x128xf32, #tpu.memory_space<vmem>>, vector<2048x128xf32>
    %get3A_2 = arith.constant 0 : index
    %get3A_3 = arith.constant 0 : index
    %get3A_4 = vector.load %arg2[%get3A_2, %get3A_3] : memref<64x128xf32, #tpu.memory_space<vmem>>, vector<64x128xf32>
    %broadcast_in_dim3A = vector.shape_cast %get3A_4 : vector<64x128xf32> to vector<64x1x128xf32>
    %broadcast_in_dim3A_5 = vector.shape_cast %broadcast_in_dim3A : vector<64x1x128xf32> to vector<64x1x128xf32>
    %broadcast_in_dim3A_6 = vector.broadcast %broadcast_in_dim3A_5 : vector<64x1x128xf32> to vector<64x32x128xf32>
    %reshape3A = vector.shape_cast %broadcast_in_dim3A_6 : vector<64x32x128xf32> to vector<2048x128xf32>
    %sub3A = arith.subf %get3A_1, %reshape3A : vector<2048x128xf32>
    %get3A_7 = arith.constant 0 : index
    %get3A_8 = arith.constant 0 : index
    %get3A_9 = vector.load %arg3[%get3A_7, %get3A_8] : memref<32x128xf32, #tpu.memory_space<vmem>>, vector<32x128xf32>
    %dot_general3A = arith.constant dense<0.000000e+00> : vector<2048x32xf32>
    %dot_general3A_10 = tpu.matmul %sub3A, %get3A_9, %dot_general3A {dimension_numbers = #tpu.dot_dimension_numbers<[1], [1], [0], [0], [0, 0, 1, 0], [], []>, transpose_lhs_hint = false} : vector<2048x128xf32>, vector<32x128xf32>, vector<2048x32xf32> -> vector<2048x32xf32>
    %reduce_sum3A = arith.constant dense<0.000000e+00> : vector<32xf32>
    %reduce_sum3A_11 = vector.multi_reduction <add>, %dot_general3A_10, %reduce_sum3A [0] : vector<2048x32xf32> to vector<32xf32>
    %swap3A = arith.constant 0 : index
    %swap3A_12 = arith.constant 0 : index
    %swap3A_13 = arith.constant 0 : index
    %swap3A_14 = vector.load %arg4[%swap3A, %swap3A_12, %swap3A_13] : memref<1x2x32xf32, #tpu.memory_space<vmem>>, vector<1x1x32xf32>
    %swap3A_15 = vector.shape_cast %swap3A_14 : vector<1x1x32xf32> to vector<32xf32>
    %swap3A_16 = vector.shape_cast %reduce_sum3A_11 : vector<32xf32> to vector<1x1x32xf32>
    tpu.vector_store %arg4[%swap3A, %swap3A_12, %swap3A_13], %swap3A_16 {strides = array<i32>} : memref<1x2x32xf32, #tpu.memory_space<vmem>>, vector<1x1x32xf32>,
    %mul3A = arith.mulf %dot_general3A_10, %dot_general3A_10 : vector<2048x32xf32>
    %reduce_sum3A_17 = arith.constant dense<0.000000e+00> : vector<32xf32>
    %reduce_sum3A_18 = vector.multi_reduction <add>, %mul3A, %reduce_sum3A_17 [0] : vector<2048x32xf32> to vector<32xf32>
    %swap3A_19 = arith.constant 0 : index
    %swap3A_20 = arith.constant 1 : index
    %swap3A_21 = arith.constant 0 : index
    %swap3A_22 = vector.load %arg4[%swap3A_19, %swap3A_20, %swap3A_21] : memref<1x2x32xf32, #tpu.memory_space<vmem>>, vector<1x1x32xf32>
    %swap3A_23 = vector.shape_cast %swap3A_22 : vector<1x1x32xf32> to vector<32xf32>
    %swap3A_24 = vector.shape_cast %reduce_sum3A_18 : vector<32xf32> to vector<1x1x32xf32>
    tpu.vector_store %arg4[%swap3A_19, %swap3A_20, %swap3A_21], %swap3A_24 {strides = array<i32>} : memref<1x2x32xf32, #tpu.memory_space<vmem>>, vector<1x1x32xf32>,
    return
  }
  func.func @transform_0(%arg0: i32) -> (i32, i32) {
    %c0_i32 = arith.constant 0 : i32
    %c0_i32_0 = arith.constant 0 : i32
    return %arg0, %c0_i32 : i32, i32
  }
  func.func @transform_1(%arg0: i32) -> (i32, i32) {
    %c0_i32 = arith.constant 0 : i32
    %c0_i32_0 = arith.constant 0 : i32
    return %arg0, %c0_i32 : i32, i32
  }
  func.func @transform_2(%arg0: i32) -> (i32, i32) {
    %c0_i32 = arith.constant 0 : i32
    %c0_i32_0 = arith.constant 0 : i32
    %c0_i32_1 = arith.constant 0 : i32
    return %c0_i32, %c0_i32_0 : i32, i32
  }
  func.func @transform_3(%arg0: i32) -> (i32, i32, i32) {
    %c0_i32 = arith.constant 0 : i32
    %c0_i32_0 = arith.constant 0 : i32
    %c0_i32_1 = arith.constant 0 : i32
    return %arg0, %c0_i32, %c0_i32_0 : i32, i32, i32
  }
}

module attributes {stable_mosaic.version = 14 : i64} {
  func.func @_t2_body(%arg0: i32, %arg1: memref<2048x128xf32, #tpu.memory_space<vmem>>, %arg2: memref<64x128xf32, #tpu.memory_space<vmem>>, %arg3: memref<32x128xf32, #tpu.memory_space<vmem>>, %arg4: memref<32x32xf32, #tpu.memory_space<vmem>>, %arg5: memref<1x32xf32, #tpu.memory_space<vmem>>, %arg6: memref<1x32xf32, #tpu.memory_space<vmem>>, %arg7: memref<128x2x32xf32, #tpu.memory_space<vmem>>, %arg8: memref<1x2x32xf32, #tpu.memory_space<vmem>>) attributes {dimension_semantics = [#tpu.dimension_semantics<arbitrary>], iteration_bounds = array<i64: 128>, scalar_prefetch = 0 : i64, scratch_operands = 0 : i64, tpu.core_type = #tpu.core_type<tc>, window_params = [{transform_indices = @transform_0, window_bounds = array<i64: 2048, 128>}, {transform_indices = @transform_1, window_bounds = array<i64: 64, 128>}, {pipeline_mode = #tpu.pipeline_mode<synchronous>, transform_indices = @transform_2, window_bounds = array<i64: 32, 128>}, {pipeline_mode = #tpu.pipeline_mode<synchronous>, transform_indices = @transform_3, window_bounds = array<i64: 32, 32>}, {pipeline_mode = #tpu.pipeline_mode<synchronous>, transform_indices = @transform_4, window_bounds = array<i64: 1, 32>}, {pipeline_mode = #tpu.pipeline_mode<synchronous>, transform_indices = @transform_5, window_bounds = array<i64: 1, 32>}, {pipeline_mode = #tpu.pipeline_mode<synchronous>, transform_indices = @transform_6, window_bounds = array<i64: 128, 2, 32>}, {transform_indices = @transform_7, window_bounds = array<i64: 1, 2, 32>}]} {
    %get3A = arith.constant 0 : index
    %get3A_0 = arith.constant 0 : index
    %get3A_1 = vector.load %arg1[%get3A, %get3A_0] : memref<2048x128xf32, #tpu.memory_space<vmem>>, vector<2048x128xf32>
    %get3A_2 = arith.constant 0 : index
    %get3A_3 = arith.constant 0 : index
    %get3A_4 = vector.load %arg2[%get3A_2, %get3A_3] : memref<64x128xf32, #tpu.memory_space<vmem>>, vector<64x128xf32>
    %broadcast_in_dim3A = vector.shape_cast %get3A_4 : vector<64x128xf32> to vector<64x1x128xf32>
    %broadcast_in_dim3A_5 = vector.shape_cast %broadcast_in_dim3A : vector<64x1x128xf32> to vector<64x1x128xf32>
    %broadcast_in_dim3A_6 = vector.broadcast %broadcast_in_dim3A_5 : vector<64x1x128xf32> to vector<64x32x128xf32>
    %reshape3A = vector.shape_cast %broadcast_in_dim3A_6 : vector<64x32x128xf32> to vector<2048x128xf32>
    %sub3A = arith.subf %get3A_1, %reshape3A : vector<2048x128xf32>
    %get3A_7 = arith.constant 0 : index
    %get3A_8 = arith.constant 0 : index
    %get3A_9 = vector.load %arg3[%get3A_7, %get3A_8] : memref<32x128xf32, #tpu.memory_space<vmem>>, vector<32x128xf32>
    %dot_general3A = arith.constant dense<0.000000e+00> : vector<2048x32xf32>
    %dot_general3A_10 = tpu.matmul %sub3A, %get3A_9, %dot_general3A {dimension_numbers = #tpu.dot_dimension_numbers<[1], [1], [0], [0], [0, 0, 1, 0], [], []>, transpose_lhs_hint = false} : vector<2048x128xf32>, vector<32x128xf32>, vector<2048x32xf32> -> vector<2048x32xf32>
    %get3A_11 = arith.constant 0 : index
    %get3A_12 = arith.constant 0 : index
    %get3A_13 = arith.constant 0 : index
    %get3A_14 = vector.load %arg7[%get3A_11, %get3A_12, %get3A_13] : memref<128x2x32xf32, #tpu.memory_space<vmem>>, vector<128x2x32xf32>
    %slice3A = vector.extract_strided_slice %get3A_14 {offsets = [0, 0, 0], sizes = [128, 1, 32], strides = [1, 1, 1]} : vector<128x2x32xf32> to vector<128x1x32xf32>
    %squeeze3A = vector.shape_cast %slice3A : vector<128x1x32xf32> to vector<128x32xf32>
    %reduce_sum3A = arith.constant dense<0.000000e+00> : vector<32xf32>
    %reduce_sum3A_15 = vector.multi_reduction <add>, %squeeze3A, %reduce_sum3A [0] : vector<128x32xf32> to vector<32xf32>
    %broadcast_in_dim3A_16 = vector.shape_cast %reduce_sum3A_15 : vector<32xf32> to vector<1x32xf32>
    %div3A = arith.constant 2.621440e+05 : f32
    %div3A_17 = vector.broadcast %div3A : f32 to vector<1x32xf32>
    %div3A_18 = arith.divf %broadcast_in_dim3A_16, %div3A_17 : vector<1x32xf32>
    %slice3A_19 = vector.extract_strided_slice %get3A_14 {offsets = [0, 1, 0], sizes = [128, 1, 32], strides = [1, 1, 1]} : vector<128x2x32xf32> to vector<128x1x32xf32>
    %squeeze3A_20 = vector.shape_cast %slice3A_19 : vector<128x1x32xf32> to vector<128x32xf32>
    %reduce_sum3A_21 = arith.constant dense<0.000000e+00> : vector<32xf32>
    %reduce_sum3A_22 = vector.multi_reduction <add>, %squeeze3A_20, %reduce_sum3A_21 [0] : vector<128x32xf32> to vector<32xf32>
    %broadcast_in_dim3A_23 = vector.shape_cast %reduce_sum3A_22 : vector<32xf32> to vector<1x32xf32>
    %div3A_24 = arith.constant 2.621440e+05 : f32
    %div3A_25 = vector.broadcast %div3A_24 : f32 to vector<1x32xf32>
    %div3A_26 = arith.divf %broadcast_in_dim3A_23, %div3A_25 : vector<1x32xf32>
    %mul3A = arith.mulf %div3A_18, %div3A_18 : vector<1x32xf32>
    %sub3A_27 = arith.subf %div3A_26, %mul3A : vector<1x32xf32>
    %add3A = arith.constant 9.99999974E-6 : f32
    %add3A_28 = vector.broadcast %add3A : f32 to vector<1x32xf32>
    %add3A_29 = arith.addf %sub3A_27, %add3A_28 : vector<1x32xf32>
    %rsqrt3A = math.rsqrt %add3A_29 : vector<1x32xf32>
    %sub3A_30 = vector.broadcast %div3A_18 : vector<1x32xf32> to vector<2048x32xf32>
    %sub3A_31 = arith.subf %dot_general3A_10, %sub3A_30 : vector<2048x32xf32>
    %mul3A_32 = vector.broadcast %rsqrt3A : vector<1x32xf32> to vector<2048x32xf32>
    %mul3A_33 = arith.mulf %sub3A_31, %mul3A_32 : vector<2048x32xf32>
    %get3A_34 = arith.constant 0 : index
    %get3A_35 = arith.constant 0 : index
    %get3A_36 = vector.load %arg5[%get3A_34, %get3A_35] : memref<1x32xf32, #tpu.memory_space<vmem>>, vector<1x32xf32>
    %mul3A_37 = vector.broadcast %get3A_36 : vector<1x32xf32> to vector<2048x32xf32>
    %mul3A_38 = arith.mulf %mul3A_33, %mul3A_37 : vector<2048x32xf32>
    %get3A_39 = arith.constant 0 : index
    %get3A_40 = arith.constant 0 : index
    %get3A_41 = vector.load %arg6[%get3A_39, %get3A_40] : memref<1x32xf32, #tpu.memory_space<vmem>>, vector<1x32xf32>
    %add3A_42 = vector.broadcast %get3A_41 : vector<1x32xf32> to vector<2048x32xf32>
    %add3A_43 = arith.addf %mul3A_38, %add3A_42 : vector<2048x32xf32>
    %max3A = arith.constant 0.000000e+00 : f32
    %max3A_44 = vector.broadcast %max3A : f32 to vector<2048x32xf32>
    %max3A_45 = arith.maximumf %add3A_43, %max3A_44 : vector<2048x32xf32>
    %get3A_46 = arith.constant 0 : index
    %get3A_47 = arith.constant 0 : index
    %get3A_48 = vector.load %arg4[%get3A_46, %get3A_47] : memref<32x32xf32, #tpu.memory_space<vmem>>, vector<32x32xf32>
    %dot_general3A_49 = arith.constant dense<0.000000e+00> : vector<2048x32xf32>
    %dot_general3A_50 = tpu.matmul %max3A_45, %get3A_48, %dot_general3A_49 {dimension_numbers = #tpu.dot_dimension_numbers<[1], [1], [0], [0], [0, 0, 1, 0], [], []>, transpose_lhs_hint = false} : vector<2048x32xf32>, vector<32x32xf32>, vector<2048x32xf32> -> vector<2048x32xf32>
    %reduce_sum3A_51 = arith.constant dense<0.000000e+00> : vector<32xf32>
    %reduce_sum3A_52 = vector.multi_reduction <add>, %dot_general3A_50, %reduce_sum3A_51 [0] : vector<2048x32xf32> to vector<32xf32>
    %swap3A = arith.constant 0 : index
    %swap3A_53 = arith.constant 0 : index
    %swap3A_54 = arith.constant 0 : index
    %swap3A_55 = vector.load %arg8[%swap3A, %swap3A_53, %swap3A_54] : memref<1x2x32xf32, #tpu.memory_space<vmem>>, vector<1x1x32xf32>
    %swap3A_56 = vector.shape_cast %swap3A_55 : vector<1x1x32xf32> to vector<32xf32>
    %swap3A_57 = vector.shape_cast %reduce_sum3A_52 : vector<32xf32> to vector<1x1x32xf32>
    tpu.vector_store %arg8[%swap3A, %swap3A_53, %swap3A_54], %swap3A_57 {strides = array<i32>} : memref<1x2x32xf32, #tpu.memory_space<vmem>>, vector<1x1x32xf32>,
    %mul3A_58 = arith.mulf %dot_general3A_50, %dot_general3A_50 : vector<2048x32xf32>
    %reduce_sum3A_59 = arith.constant dense<0.000000e+00> : vector<32xf32>
    %reduce_sum3A_60 = vector.multi_reduction <add>, %mul3A_58, %reduce_sum3A_59 [0] : vector<2048x32xf32> to vector<32xf32>
    %swap3A_61 = arith.constant 0 : index
    %swap3A_62 = arith.constant 1 : index
    %swap3A_63 = arith.constant 0 : index
    %swap3A_64 = vector.load %arg8[%swap3A_61, %swap3A_62, %swap3A_63] : memref<1x2x32xf32, #tpu.memory_space<vmem>>, vector<1x1x32xf32>
    %swap3A_65 = vector.shape_cast %swap3A_64 : vector<1x1x32xf32> to vector<32xf32>
    %swap3A_66 = vector.shape_cast %reduce_sum3A_60 : vector<32xf32> to vector<1x1x32xf32>
    tpu.vector_store %arg8[%swap3A_61, %swap3A_62, %swap3A_63], %swap3A_66 {strides = array<i32>} : memref<1x2x32xf32, #tpu.memory_space<vmem>>, vector<1x1x32xf32>,
    return
  }
  func.func @transform_0(%arg0: i32) -> (i32, i32) {
    %c0_i32 = arith.constant 0 : i32
    %c0_i32_0 = arith.constant 0 : i32
    return %arg0, %c0_i32 : i32, i32
  }
  func.func @transform_1(%arg0: i32) -> (i32, i32) {
    %c0_i32 = arith.constant 0 : i32
    %c0_i32_0 = arith.constant 0 : i32
    return %arg0, %c0_i32 : i32, i32
  }
  func.func @transform_2(%arg0: i32) -> (i32, i32) {
    %c0_i32 = arith.constant 0 : i32
    %c0_i32_0 = arith.constant 0 : i32
    %c0_i32_1 = arith.constant 0 : i32
    return %c0_i32, %c0_i32_0 : i32, i32
  }
  func.func @transform_3(%arg0: i32) -> (i32, i32) {
    %c0_i32 = arith.constant 0 : i32
    %c0_i32_0 = arith.constant 0 : i32
    %c0_i32_1 = arith.constant 0 : i32
    return %c0_i32, %c0_i32_0 : i32, i32
  }
  func.func @transform_4(%arg0: i32) -> (i32, i32) {
    %c0_i32 = arith.constant 0 : i32
    %c0_i32_0 = arith.constant 0 : i32
    %c0_i32_1 = arith.constant 0 : i32
    return %c0_i32, %c0_i32_0 : i32, i32
  }
  func.func @transform_5(%arg0: i32) -> (i32, i32) {
    %c0_i32 = arith.constant 0 : i32
    %c0_i32_0 = arith.constant 0 : i32
    %c0_i32_1 = arith.constant 0 : i32
    return %c0_i32, %c0_i32_0 : i32, i32
  }
  func.func @transform_6(%arg0: i32) -> (i32, i32, i32) {
    %c0_i32 = arith.constant 0 : i32
    %c0_i32_0 = arith.constant 0 : i32
    %c0_i32_1 = arith.constant 0 : i32
    %c0_i32_2 = arith.constant 0 : i32
    return %c0_i32, %c0_i32_0, %c0_i32_1 : i32, i32, i32
  }
  func.func @transform_7(%arg0: i32) -> (i32, i32, i32) {
    %c0_i32 = arith.constant 0 : i32
    %c0_i32_0 = arith.constant 0 : i32
    %c0_i32_1 = arith.constant 0 : i32
    return %arg0, %c0_i32, %c0_i32_0 : i32, i32, i32
  }
}

module attributes {stable_mosaic.version = 14 : i64} {
  func.func @_t3_body(%arg0: i32, %arg1: memref<2048x128xf32, #tpu.memory_space<vmem>>, %arg2: memref<64x128xf32, #tpu.memory_space<vmem>>, %arg3: memref<32x128xf32, #tpu.memory_space<vmem>>, %arg4: memref<32x32xf32, #tpu.memory_space<vmem>>, %arg5: memref<64x32xf32, #tpu.memory_space<vmem>>, %arg6: memref<1x32xf32, #tpu.memory_space<vmem>>, %arg7: memref<1x32xf32, #tpu.memory_space<vmem>>, %arg8: memref<1x32xf32, #tpu.memory_space<vmem>>, %arg9: memref<1x32xf32, #tpu.memory_space<vmem>>, %arg10: memref<128x2x32xf32, #tpu.memory_space<vmem>>, %arg11: memref<128x2x32xf32, #tpu.memory_space<vmem>>, %arg12: memref<1x2x64xf32, #tpu.memory_space<vmem>>) attributes {dimension_semantics = [#tpu.dimension_semantics<arbitrary>], iteration_bounds = array<i64: 128>, scalar_prefetch = 0 : i64, scratch_operands = 0 : i64, tpu.core_type = #tpu.core_type<tc>, window_params = [{transform_indices = @transform_0, window_bounds = array<i64: 2048, 128>}, {transform_indices = @transform_1, window_bounds = array<i64: 64, 128>}, {pipeline_mode = #tpu.pipeline_mode<synchronous>, transform_indices = @transform_2, window_bounds = array<i64: 32, 128>}, {pipeline_mode = #tpu.pipeline_mode<synchronous>, transform_indices = @transform_3, window_bounds = array<i64: 32, 32>}, {pipeline_mode = #tpu.pipeline_mode<synchronous>, transform_indices = @transform_4, window_bounds = array<i64: 64, 32>}, {pipeline_mode = #tpu.pipeline_mode<synchronous>, transform_indices = @transform_5, window_bounds = array<i64: 1, 32>}, {pipeline_mode = #tpu.pipeline_mode<synchronous>, transform_indices = @transform_6, window_bounds = array<i64: 1, 32>}, {pipeline_mode = #tpu.pipeline_mode<synchronous>, transform_indices = @transform_7, window_bounds = array<i64: 1, 32>}, {pipeline_mode = #tpu.pipeline_mode<synchronous>, transform_indices = @transform_8, window_bounds = array<i64: 1, 32>}, {pipeline_mode = #tpu.pipeline_mode<synchronous>, transform_indices = @transform_9, window_bounds = array<i64: 128, 2, 32>}, {pipeline_mode = #tpu.pipeline_mode<synchronous>, transform_indices = @transform_10, window_bounds = array<i64: 128, 2, 32>}, {transform_indices = @transform_11, window_bounds = array<i64: 1, 2, 64>}]} {
    %get3A = arith.constant 0 : index
    %get3A_0 = arith.constant 0 : index
    %get3A_1 = vector.load %arg1[%get3A, %get3A_0] : memref<2048x128xf32, #tpu.memory_space<vmem>>, vector<2048x128xf32>
    %get3A_2 = arith.constant 0 : index
    %get3A_3 = arith.constant 0 : index
    %get3A_4 = vector.load %arg2[%get3A_2, %get3A_3] : memref<64x128xf32, #tpu.memory_space<vmem>>, vector<64x128xf32>
    %broadcast_in_dim3A = vector.shape_cast %get3A_4 : vector<64x128xf32> to vector<64x1x128xf32>
    %broadcast_in_dim3A_5 = vector.shape_cast %broadcast_in_dim3A : vector<64x1x128xf32> to vector<64x1x128xf32>
    %broadcast_in_dim3A_6 = vector.broadcast %broadcast_in_dim3A_5 : vector<64x1x128xf32> to vector<64x32x128xf32>
    %reshape3A = vector.shape_cast %broadcast_in_dim3A_6 : vector<64x32x128xf32> to vector<2048x128xf32>
    %sub3A = arith.subf %get3A_1, %reshape3A : vector<2048x128xf32>
    %get3A_7 = arith.constant 0 : index
    %get3A_8 = arith.constant 0 : index
    %get3A_9 = vector.load %arg3[%get3A_7, %get3A_8] : memref<32x128xf32, #tpu.memory_space<vmem>>, vector<32x128xf32>
    %dot_general3A = arith.constant dense<0.000000e+00> : vector<2048x32xf32>
    %dot_general3A_10 = tpu.matmul %sub3A, %get3A_9, %dot_general3A {dimension_numbers = #tpu.dot_dimension_numbers<[1], [1], [0], [0], [0, 0, 1, 0], [], []>, transpose_lhs_hint = false} : vector<2048x128xf32>, vector<32x128xf32>, vector<2048x32xf32> -> vector<2048x32xf32>
    %get3A_11 = arith.constant 0 : index
    %get3A_12 = arith.constant 0 : index
    %get3A_13 = arith.constant 0 : index
    %get3A_14 = vector.load %arg10[%get3A_11, %get3A_12, %get3A_13] : memref<128x2x32xf32, #tpu.memory_space<vmem>>, vector<128x2x32xf32>
    %slice3A = vector.extract_strided_slice %get3A_14 {offsets = [0, 0, 0], sizes = [128, 1, 32], strides = [1, 1, 1]} : vector<128x2x32xf32> to vector<128x1x32xf32>
    %squeeze3A = vector.shape_cast %slice3A : vector<128x1x32xf32> to vector<128x32xf32>
    %reduce_sum3A = arith.constant dense<0.000000e+00> : vector<32xf32>
    %reduce_sum3A_15 = vector.multi_reduction <add>, %squeeze3A, %reduce_sum3A [0] : vector<128x32xf32> to vector<32xf32>
    %broadcast_in_dim3A_16 = vector.shape_cast %reduce_sum3A_15 : vector<32xf32> to vector<1x32xf32>
    %div3A = arith.constant 2.621440e+05 : f32
    %div3A_17 = vector.broadcast %div3A : f32 to vector<1x32xf32>
    %div3A_18 = arith.divf %broadcast_in_dim3A_16, %div3A_17 : vector<1x32xf32>
    %slice3A_19 = vector.extract_strided_slice %get3A_14 {offsets = [0, 1, 0], sizes = [128, 1, 32], strides = [1, 1, 1]} : vector<128x2x32xf32> to vector<128x1x32xf32>
    %squeeze3A_20 = vector.shape_cast %slice3A_19 : vector<128x1x32xf32> to vector<128x32xf32>
    %reduce_sum3A_21 = arith.constant dense<0.000000e+00> : vector<32xf32>
    %reduce_sum3A_22 = vector.multi_reduction <add>, %squeeze3A_20, %reduce_sum3A_21 [0] : vector<128x32xf32> to vector<32xf32>
    %broadcast_in_dim3A_23 = vector.shape_cast %reduce_sum3A_22 : vector<32xf32> to vector<1x32xf32>
    %div3A_24 = arith.constant 2.621440e+05 : f32
    %div3A_25 = vector.broadcast %div3A_24 : f32 to vector<1x32xf32>
    %div3A_26 = arith.divf %broadcast_in_dim3A_23, %div3A_25 : vector<1x32xf32>
    %mul3A = arith.mulf %div3A_18, %div3A_18 : vector<1x32xf32>
    %sub3A_27 = arith.subf %div3A_26, %mul3A : vector<1x32xf32>
    %add3A = arith.constant 9.99999974E-6 : f32
    %add3A_28 = vector.broadcast %add3A : f32 to vector<1x32xf32>
    %add3A_29 = arith.addf %sub3A_27, %add3A_28 : vector<1x32xf32>
    %rsqrt3A = math.rsqrt %add3A_29 : vector<1x32xf32>
    %sub3A_30 = vector.broadcast %div3A_18 : vector<1x32xf32> to vector<2048x32xf32>
    %sub3A_31 = arith.subf %dot_general3A_10, %sub3A_30 : vector<2048x32xf32>
    %mul3A_32 = vector.broadcast %rsqrt3A : vector<1x32xf32> to vector<2048x32xf32>
    %mul3A_33 = arith.mulf %sub3A_31, %mul3A_32 : vector<2048x32xf32>
    %get3A_34 = arith.constant 0 : index
    %get3A_35 = arith.constant 0 : index
    %get3A_36 = vector.load %arg6[%get3A_34, %get3A_35] : memref<1x32xf32, #tpu.memory_space<vmem>>, vector<1x32xf32>
    %mul3A_37 = vector.broadcast %get3A_36 : vector<1x32xf32> to vector<2048x32xf32>
    %mul3A_38 = arith.mulf %mul3A_33, %mul3A_37 : vector<2048x32xf32>
    %get3A_39 = arith.constant 0 : index
    %get3A_40 = arith.constant 0 : index
    %get3A_41 = vector.load %arg7[%get3A_39, %get3A_40] : memref<1x32xf32, #tpu.memory_space<vmem>>, vector<1x32xf32>
    %add3A_42 = vector.broadcast %get3A_41 : vector<1x32xf32> to vector<2048x32xf32>
    %add3A_43 = arith.addf %mul3A_38, %add3A_42 : vector<2048x32xf32>
    %max3A = arith.constant 0.000000e+00 : f32
    %max3A_44 = vector.broadcast %max3A : f32 to vector<2048x32xf32>
    %max3A_45 = arith.maximumf %add3A_43, %max3A_44 : vector<2048x32xf32>
    %get3A_46 = arith.constant 0 : index
    %get3A_47 = arith.constant 0 : index
    %get3A_48 = vector.load %arg4[%get3A_46, %get3A_47] : memref<32x32xf32, #tpu.memory_space<vmem>>, vector<32x32xf32>
    %dot_general3A_49 = arith.constant dense<0.000000e+00> : vector<2048x32xf32>
    %dot_general3A_50 = tpu.matmul %max3A_45, %get3A_48, %dot_general3A_49 {dimension_numbers = #tpu.dot_dimension_numbers<[1], [1], [0], [0], [0, 0, 1, 0], [], []>, transpose_lhs_hint = false} : vector<2048x32xf32>, vector<32x32xf32>, vector<2048x32xf32> -> vector<2048x32xf32>
    %get3A_51 = arith.constant 0 : index
    %get3A_52 = arith.constant 0 : index
    %get3A_53 = arith.constant 0 : index
    %get3A_54 = vector.load %arg11[%get3A_51, %get3A_52, %get3A_53] : memref<128x2x32xf32, #tpu.memory_space<vmem>>, vector<128x2x32xf32>
    %slice3A_55 = vector.extract_strided_slice %get3A_54 {offsets = [0, 0, 0], sizes = [128, 1, 32], strides = [1, 1, 1]} : vector<128x2x32xf32> to vector<128x1x32xf32>
    %squeeze3A_56 = vector.shape_cast %slice3A_55 : vector<128x1x32xf32> to vector<128x32xf32>
    %reduce_sum3A_57 = arith.constant dense<0.000000e+00> : vector<32xf32>
    %reduce_sum3A_58 = vector.multi_reduction <add>, %squeeze3A_56, %reduce_sum3A_57 [0] : vector<128x32xf32> to vector<32xf32>
    %broadcast_in_dim3A_59 = vector.shape_cast %reduce_sum3A_58 : vector<32xf32> to vector<1x32xf32>
    %div3A_60 = arith.constant 2.621440e+05 : f32
    %div3A_61 = vector.broadcast %div3A_60 : f32 to vector<1x32xf32>
    %div3A_62 = arith.divf %broadcast_in_dim3A_59, %div3A_61 : vector<1x32xf32>
    %slice3A_63 = vector.extract_strided_slice %get3A_54 {offsets = [0, 1, 0], sizes = [128, 1, 32], strides = [1, 1, 1]} : vector<128x2x32xf32> to vector<128x1x32xf32>
    %squeeze3A_64 = vector.shape_cast %slice3A_63 : vector<128x1x32xf32> to vector<128x32xf32>
    %reduce_sum3A_65 = arith.constant dense<0.000000e+00> : vector<32xf32>
    %reduce_sum3A_66 = vector.multi_reduction <add>, %squeeze3A_64, %reduce_sum3A_65 [0] : vector<128x32xf32> to vector<32xf32>
    %broadcast_in_dim3A_67 = vector.shape_cast %reduce_sum3A_66 : vector<32xf32> to vector<1x32xf32>
    %div3A_68 = arith.constant 2.621440e+05 : f32
    %div3A_69 = vector.broadcast %div3A_68 : f32 to vector<1x32xf32>
    %div3A_70 = arith.divf %broadcast_in_dim3A_67, %div3A_69 : vector<1x32xf32>
    %mul3A_71 = arith.mulf %div3A_62, %div3A_62 : vector<1x32xf32>
    %sub3A_72 = arith.subf %div3A_70, %mul3A_71 : vector<1x32xf32>
    %add3A_73 = arith.constant 9.99999974E-6 : f32
    %add3A_74 = vector.broadcast %add3A_73 : f32 to vector<1x32xf32>
    %add3A_75 = arith.addf %sub3A_72, %add3A_74 : vector<1x32xf32>
    %rsqrt3A_76 = math.rsqrt %add3A_75 : vector<1x32xf32>
    %sub3A_77 = vector.broadcast %div3A_62 : vector<1x32xf32> to vector<2048x32xf32>
    %sub3A_78 = arith.subf %dot_general3A_50, %sub3A_77 : vector<2048x32xf32>
    %mul3A_79 = vector.broadcast %rsqrt3A_76 : vector<1x32xf32> to vector<2048x32xf32>
    %mul3A_80 = arith.mulf %sub3A_78, %mul3A_79 : vector<2048x32xf32>
    %get3A_81 = arith.constant 0 : index
    %get3A_82 = arith.constant 0 : index
    %get3A_83 = vector.load %arg8[%get3A_81, %get3A_82] : memref<1x32xf32, #tpu.memory_space<vmem>>, vector<1x32xf32>
    %mul3A_84 = vector.broadcast %get3A_83 : vector<1x32xf32> to vector<2048x32xf32>
    %mul3A_85 = arith.mulf %mul3A_80, %mul3A_84 : vector<2048x32xf32>
    %get3A_86 = arith.constant 0 : index
    %get3A_87 = arith.constant 0 : index
    %get3A_88 = vector.load %arg9[%get3A_86, %get3A_87] : memref<1x32xf32, #tpu.memory_space<vmem>>, vector<1x32xf32>
    %add3A_89 = vector.broadcast %get3A_88 : vector<1x32xf32> to vector<2048x32xf32>
    %add3A_90 = arith.addf %mul3A_85, %add3A_89 : vector<2048x32xf32>
    %max3A_91 = arith.constant 0.000000e+00 : f32
    %max3A_92 = vector.broadcast %max3A_91 : f32 to vector<2048x32xf32>
    %max3A_93 = arith.maximumf %add3A_90, %max3A_92 : vector<2048x32xf32>
    %get3A_94 = arith.constant 0 : index
    %get3A_95 = arith.constant 0 : index
    %get3A_96 = vector.load %arg5[%get3A_94, %get3A_95] : memref<64x32xf32, #tpu.memory_space<vmem>>, vector<64x32xf32>
    %dot_general3A_97 = arith.constant dense<0.000000e+00> : vector<2048x64xf32>
    %dot_general3A_98 = tpu.matmul %max3A_93, %get3A_96, %dot_general3A_97 {dimension_numbers = #tpu.dot_dimension_numbers<[1], [1], [0], [0], [0, 0, 1, 0], [], []>, transpose_lhs_hint = false} : vector<2048x32xf32>, vector<64x32xf32>, vector<2048x64xf32> -> vector<2048x64xf32>
    %reduce_sum3A_99 = arith.constant dense<0.000000e+00> : vector<64xf32>
    %reduce_sum3A_100 = vector.multi_reduction <add>, %dot_general3A_98, %reduce_sum3A_99 [0] : vector<2048x64xf32> to vector<64xf32>
    %swap3A = arith.constant 0 : index
    %swap3A_101 = arith.constant 0 : index
    %swap3A_102 = arith.constant 0 : index
    %swap3A_103 = vector.load %arg12[%swap3A, %swap3A_101, %swap3A_102] : memref<1x2x64xf32, #tpu.memory_space<vmem>>, vector<1x1x64xf32>
    %swap3A_104 = vector.shape_cast %swap3A_103 : vector<1x1x64xf32> to vector<64xf32>
    %swap3A_105 = vector.shape_cast %reduce_sum3A_100 : vector<64xf32> to vector<1x1x64xf32>
    tpu.vector_store %arg12[%swap3A, %swap3A_101, %swap3A_102], %swap3A_105 {strides = array<i32>} : memref<1x2x64xf32, #tpu.memory_space<vmem>>, vector<1x1x64xf32>,
    %mul3A_106 = arith.mulf %dot_general3A_98, %dot_general3A_98 : vector<2048x64xf32>
    %reduce_sum3A_107 = arith.constant dense<0.000000e+00> : vector<64xf32>
    %reduce_sum3A_108 = vector.multi_reduction <add>, %mul3A_106, %reduce_sum3A_107 [0] : vector<2048x64xf32> to vector<64xf32>
    %swap3A_109 = arith.constant 0 : index
    %swap3A_110 = arith.constant 1 : index
    %swap3A_111 = arith.constant 0 : index
    %swap3A_112 = vector.load %arg12[%swap3A_109, %swap3A_110, %swap3A_111] : memref<1x2x64xf32, #tpu.memory_space<vmem>>, vector<1x1x64xf32>
    %swap3A_113 = vector.shape_cast %swap3A_112 : vector<1x1x64xf32> to vector<64xf32>
    %swap3A_114 = vector.shape_cast %reduce_sum3A_108 : vector<64xf32> to vector<1x1x64xf32>
    tpu.vector_store %arg12[%swap3A_109, %swap3A_110, %swap3A_111], %swap3A_114 {strides = array<i32>} : memref<1x2x64xf32, #tpu.memory_space<vmem>>, vector<1x1x64xf32>,
    return
  }
  func.func @transform_0(%arg0: i32) -> (i32, i32) {
    %c0_i32 = arith.constant 0 : i32
    %c0_i32_0 = arith.constant 0 : i32
    return %arg0, %c0_i32 : i32, i32
  }
  func.func @transform_1(%arg0: i32) -> (i32, i32) {
    %c0_i32 = arith.constant 0 : i32
    %c0_i32_0 = arith.constant 0 : i32
    return %arg0, %c0_i32 : i32, i32
  }
  func.func @transform_2(%arg0: i32) -> (i32, i32) {
    %c0_i32 = arith.constant 0 : i32
    %c0_i32_0 = arith.constant 0 : i32
    %c0_i32_1 = arith.constant 0 : i32
    return %c0_i32, %c0_i32_0 : i32, i32
  }
  func.func @transform_3(%arg0: i32) -> (i32, i32) {
    %c0_i32 = arith.constant 0 : i32
    %c0_i32_0 = arith.constant 0 : i32
    %c0_i32_1 = arith.constant 0 : i32
    return %c0_i32, %c0_i32_0 : i32, i32
  }
  func.func @transform_4(%arg0: i32) -> (i32, i32) {
    %c0_i32 = arith.constant 0 : i32
    %c0_i32_0 = arith.constant 0 : i32
    %c0_i32_1 = arith.constant 0 : i32
    return %c0_i32, %c0_i32_0 : i32, i32
  }
  func.func @transform_5(%arg0: i32) -> (i32, i32) {
    %c0_i32 = arith.constant 0 : i32
    %c0_i32_0 = arith.constant 0 : i32
    %c0_i32_1 = arith.constant 0 : i32
    return %c0_i32, %c0_i32_0 : i32, i32
  }
  func.func @transform_6(%arg0: i32) -> (i32, i32) {
    %c0_i32 = arith.constant 0 : i32
    %c0_i32_0 = arith.constant 0 : i32
    %c0_i32_1 = arith.constant 0 : i32
    return %c0_i32, %c0_i32_0 : i32, i32
  }
  func.func @transform_7(%arg0: i32) -> (i32, i32) {
    %c0_i32 = arith.constant 0 : i32
    %c0_i32_0 = arith.constant 0 : i32
    %c0_i32_1 = arith.constant 0 : i32
    return %c0_i32, %c0_i32_0 : i32, i32
  }
  func.func @transform_8(%arg0: i32) -> (i32, i32) {
    %c0_i32 = arith.constant 0 : i32
    %c0_i32_0 = arith.constant 0 : i32
    %c0_i32_1 = arith.constant 0 : i32
    return %c0_i32, %c0_i32_0 : i32, i32
  }
  func.func @transform_9(%arg0: i32) -> (i32, i32, i32) {
    %c0_i32 = arith.constant 0 : i32
    %c0_i32_0 = arith.constant 0 : i32
    %c0_i32_1 = arith.constant 0 : i32
    %c0_i32_2 = arith.constant 0 : i32
    return %c0_i32, %c0_i32_0, %c0_i32_1 : i32, i32, i32
  }
  func.func @transform_10(%arg0: i32) -> (i32, i32, i32) {
    %c0_i32 = arith.constant 0 : i32
    %c0_i32_0 = arith.constant 0 : i32
    %c0_i32_1 = arith.constant 0 : i32
    %c0_i32_2 = arith.constant 0 : i32
    return %c0_i32, %c0_i32_0, %c0_i32_1 : i32, i32, i32
  }
  func.func @transform_11(%arg0: i32) -> (i32, i32, i32) {
    %c0_i32 = arith.constant 0 : i32
    %c0_i32_0 = arith.constant 0 : i32
    %c0_i32_1 = arith.constant 0 : i32
    return %arg0, %c0_i32, %c0_i32_0 : i32, i32, i32
  }
}

module attributes {stable_mosaic.version = 14 : i64} {
  func.func @_t4_body(%arg0: i32, %arg1: memref<2048x128xf32, #tpu.memory_space<vmem>>, %arg2: memref<64x128xf32, #tpu.memory_space<vmem>>, %arg3: memref<32x128xf32, #tpu.memory_space<vmem>>, %arg4: memref<32x32xf32, #tpu.memory_space<vmem>>, %arg5: memref<64x32xf32, #tpu.memory_space<vmem>>, %arg6: memref<1x32xf32, #tpu.memory_space<vmem>>, %arg7: memref<1x32xf32, #tpu.memory_space<vmem>>, %arg8: memref<1x32xf32, #tpu.memory_space<vmem>>, %arg9: memref<1x32xf32, #tpu.memory_space<vmem>>, %arg10: memref<1x64xf32, #tpu.memory_space<vmem>>, %arg11: memref<1x64xf32, #tpu.memory_space<vmem>>, %arg12: memref<128x2x32xf32, #tpu.memory_space<vmem>>, %arg13: memref<128x2x32xf32, #tpu.memory_space<vmem>>, %arg14: memref<128x2x64xf32, #tpu.memory_space<vmem>>, %arg15: memref<64x64xf32, #tpu.memory_space<vmem>>) attributes {dimension_semantics = [#tpu.dimension_semantics<arbitrary>], iteration_bounds = array<i64: 128>, scalar_prefetch = 0 : i64, scratch_operands = 0 : i64, tpu.core_type = #tpu.core_type<tc>, window_params = [{transform_indices = @transform_0, window_bounds = array<i64: 2048, 128>}, {transform_indices = @transform_1, window_bounds = array<i64: 64, 128>}, {pipeline_mode = #tpu.pipeline_mode<synchronous>, transform_indices = @transform_2, window_bounds = array<i64: 32, 128>}, {pipeline_mode = #tpu.pipeline_mode<synchronous>, transform_indices = @transform_3, window_bounds = array<i64: 32, 32>}, {pipeline_mode = #tpu.pipeline_mode<synchronous>, transform_indices = @transform_4, window_bounds = array<i64: 64, 32>}, {pipeline_mode = #tpu.pipeline_mode<synchronous>, transform_indices = @transform_5, window_bounds = array<i64: 1, 32>}, {pipeline_mode = #tpu.pipeline_mode<synchronous>, transform_indices = @transform_6, window_bounds = array<i64: 1, 32>}, {pipeline_mode = #tpu.pipeline_mode<synchronous>, transform_indices = @transform_7, window_bounds = array<i64: 1, 32>}, {pipeline_mode = #tpu.pipeline_mode<synchronous>, transform_indices = @transform_8, window_bounds = array<i64: 1, 32>}, {pipeline_mode = #tpu.pipeline_mode<synchronous>, transform_indices = @transform_9, window_bounds = array<i64: 1, 64>}, {pipeline_mode = #tpu.pipeline_mode<synchronous>, transform_indices = @transform_10, window_bounds = array<i64: 1, 64>}, {pipeline_mode = #tpu.pipeline_mode<synchronous>, transform_indices = @transform_11, window_bounds = array<i64: 128, 2, 32>}, {pipeline_mode = #tpu.pipeline_mode<synchronous>, transform_indices = @transform_12, window_bounds = array<i64: 128, 2, 32>}, {pipeline_mode = #tpu.pipeline_mode<synchronous>, transform_indices = @transform_13, window_bounds = array<i64: 128, 2, 64>}, {transform_indices = @transform_14, window_bounds = array<i64: 64, 64>}]} {
    %get3A = arith.constant 0 : index
    %get3A_0 = arith.constant 0 : index
    %get3A_1 = vector.load %arg1[%get3A, %get3A_0] : memref<2048x128xf32, #tpu.memory_space<vmem>>, vector<2048x128xf32>
    %get3A_2 = arith.constant 0 : index
    %get3A_3 = arith.constant 0 : index
    %get3A_4 = vector.load %arg2[%get3A_2, %get3A_3] : memref<64x128xf32, #tpu.memory_space<vmem>>, vector<64x128xf32>
    %broadcast_in_dim3A = vector.shape_cast %get3A_4 : vector<64x128xf32> to vector<64x1x128xf32>
    %broadcast_in_dim3A_5 = vector.shape_cast %broadcast_in_dim3A : vector<64x1x128xf32> to vector<64x1x128xf32>
    %broadcast_in_dim3A_6 = vector.broadcast %broadcast_in_dim3A_5 : vector<64x1x128xf32> to vector<64x32x128xf32>
    %reshape3A = vector.shape_cast %broadcast_in_dim3A_6 : vector<64x32x128xf32> to vector<2048x128xf32>
    %sub3A = arith.subf %get3A_1, %reshape3A : vector<2048x128xf32>
    %get3A_7 = arith.constant 0 : index
    %get3A_8 = arith.constant 0 : index
    %get3A_9 = vector.load %arg3[%get3A_7, %get3A_8] : memref<32x128xf32, #tpu.memory_space<vmem>>, vector<32x128xf32>
    %dot_general3A = arith.constant dense<0.000000e+00> : vector<2048x32xf32>
    %dot_general3A_10 = tpu.matmul %sub3A, %get3A_9, %dot_general3A {dimension_numbers = #tpu.dot_dimension_numbers<[1], [1], [0], [0], [0, 0, 1, 0], [], []>, transpose_lhs_hint = false} : vector<2048x128xf32>, vector<32x128xf32>, vector<2048x32xf32> -> vector<2048x32xf32>
    %get3A_11 = arith.constant 0 : index
    %get3A_12 = arith.constant 0 : index
    %get3A_13 = arith.constant 0 : index
    %get3A_14 = vector.load %arg12[%get3A_11, %get3A_12, %get3A_13] : memref<128x2x32xf32, #tpu.memory_space<vmem>>, vector<128x2x32xf32>
    %slice3A = vector.extract_strided_slice %get3A_14 {offsets = [0, 0, 0], sizes = [128, 1, 32], strides = [1, 1, 1]} : vector<128x2x32xf32> to vector<128x1x32xf32>
    %squeeze3A = vector.shape_cast %slice3A : vector<128x1x32xf32> to vector<128x32xf32>
    %reduce_sum3A = arith.constant dense<0.000000e+00> : vector<32xf32>
    %reduce_sum3A_15 = vector.multi_reduction <add>, %squeeze3A, %reduce_sum3A [0] : vector<128x32xf32> to vector<32xf32>
    %broadcast_in_dim3A_16 = vector.shape_cast %reduce_sum3A_15 : vector<32xf32> to vector<1x32xf32>
    %div3A = arith.constant 2.621440e+05 : f32
    %div3A_17 = vector.broadcast %div3A : f32 to vector<1x32xf32>
    %div3A_18 = arith.divf %broadcast_in_dim3A_16, %div3A_17 : vector<1x32xf32>
    %slice3A_19 = vector.extract_strided_slice %get3A_14 {offsets = [0, 1, 0], sizes = [128, 1, 32], strides = [1, 1, 1]} : vector<128x2x32xf32> to vector<128x1x32xf32>
    %squeeze3A_20 = vector.shape_cast %slice3A_19 : vector<128x1x32xf32> to vector<128x32xf32>
    %reduce_sum3A_21 = arith.constant dense<0.000000e+00> : vector<32xf32>
    %reduce_sum3A_22 = vector.multi_reduction <add>, %squeeze3A_20, %reduce_sum3A_21 [0] : vector<128x32xf32> to vector<32xf32>
    %broadcast_in_dim3A_23 = vector.shape_cast %reduce_sum3A_22 : vector<32xf32> to vector<1x32xf32>
    %div3A_24 = arith.constant 2.621440e+05 : f32
    %div3A_25 = vector.broadcast %div3A_24 : f32 to vector<1x32xf32>
    %div3A_26 = arith.divf %broadcast_in_dim3A_23, %div3A_25 : vector<1x32xf32>
    %mul3A = arith.mulf %div3A_18, %div3A_18 : vector<1x32xf32>
    %sub3A_27 = arith.subf %div3A_26, %mul3A : vector<1x32xf32>
    %add3A = arith.constant 9.99999974E-6 : f32
    %add3A_28 = vector.broadcast %add3A : f32 to vector<1x32xf32>
    %add3A_29 = arith.addf %sub3A_27, %add3A_28 : vector<1x32xf32>
    %rsqrt3A = math.rsqrt %add3A_29 : vector<1x32xf32>
    %sub3A_30 = vector.broadcast %div3A_18 : vector<1x32xf32> to vector<2048x32xf32>
    %sub3A_31 = arith.subf %dot_general3A_10, %sub3A_30 : vector<2048x32xf32>
    %mul3A_32 = vector.broadcast %rsqrt3A : vector<1x32xf32> to vector<2048x32xf32>
    %mul3A_33 = arith.mulf %sub3A_31, %mul3A_32 : vector<2048x32xf32>
    %get3A_34 = arith.constant 0 : index
    %get3A_35 = arith.constant 0 : index
    %get3A_36 = vector.load %arg6[%get3A_34, %get3A_35] : memref<1x32xf32, #tpu.memory_space<vmem>>, vector<1x32xf32>
    %mul3A_37 = vector.broadcast %get3A_36 : vector<1x32xf32> to vector<2048x32xf32>
    %mul3A_38 = arith.mulf %mul3A_33, %mul3A_37 : vector<2048x32xf32>
    %get3A_39 = arith.constant 0 : index
    %get3A_40 = arith.constant 0 : index
    %get3A_41 = vector.load %arg7[%get3A_39, %get3A_40] : memref<1x32xf32, #tpu.memory_space<vmem>>, vector<1x32xf32>
    %add3A_42 = vector.broadcast %get3A_41 : vector<1x32xf32> to vector<2048x32xf32>
    %add3A_43 = arith.addf %mul3A_38, %add3A_42 : vector<2048x32xf32>
    %max3A = arith.constant 0.000000e+00 : f32
    %max3A_44 = vector.broadcast %max3A : f32 to vector<2048x32xf32>
    %max3A_45 = arith.maximumf %add3A_43, %max3A_44 : vector<2048x32xf32>
    %get3A_46 = arith.constant 0 : index
    %get3A_47 = arith.constant 0 : index
    %get3A_48 = vector.load %arg4[%get3A_46, %get3A_47] : memref<32x32xf32, #tpu.memory_space<vmem>>, vector<32x32xf32>
    %dot_general3A_49 = arith.constant dense<0.000000e+00> : vector<2048x32xf32>
    %dot_general3A_50 = tpu.matmul %max3A_45, %get3A_48, %dot_general3A_49 {dimension_numbers = #tpu.dot_dimension_numbers<[1], [1], [0], [0], [0, 0, 1, 0], [], []>, transpose_lhs_hint = false} : vector<2048x32xf32>, vector<32x32xf32>, vector<2048x32xf32> -> vector<2048x32xf32>
    %get3A_51 = arith.constant 0 : index
    %get3A_52 = arith.constant 0 : index
    %get3A_53 = arith.constant 0 : index
    %get3A_54 = vector.load %arg13[%get3A_51, %get3A_52, %get3A_53] : memref<128x2x32xf32, #tpu.memory_space<vmem>>, vector<128x2x32xf32>
    %slice3A_55 = vector.extract_strided_slice %get3A_54 {offsets = [0, 0, 0], sizes = [128, 1, 32], strides = [1, 1, 1]} : vector<128x2x32xf32> to vector<128x1x32xf32>
    %squeeze3A_56 = vector.shape_cast %slice3A_55 : vector<128x1x32xf32> to vector<128x32xf32>
    %reduce_sum3A_57 = arith.constant dense<0.000000e+00> : vector<32xf32>
    %reduce_sum3A_58 = vector.multi_reduction <add>, %squeeze3A_56, %reduce_sum3A_57 [0] : vector<128x32xf32> to vector<32xf32>
    %broadcast_in_dim3A_59 = vector.shape_cast %reduce_sum3A_58 : vector<32xf32> to vector<1x32xf32>
    %div3A_60 = arith.constant 2.621440e+05 : f32
    %div3A_61 = vector.broadcast %div3A_60 : f32 to vector<1x32xf32>
    %div3A_62 = arith.divf %broadcast_in_dim3A_59, %div3A_61 : vector<1x32xf32>
    %slice3A_63 = vector.extract_strided_slice %get3A_54 {offsets = [0, 1, 0], sizes = [128, 1, 32], strides = [1, 1, 1]} : vector<128x2x32xf32> to vector<128x1x32xf32>
    %squeeze3A_64 = vector.shape_cast %slice3A_63 : vector<128x1x32xf32> to vector<128x32xf32>
    %reduce_sum3A_65 = arith.constant dense<0.000000e+00> : vector<32xf32>
    %reduce_sum3A_66 = vector.multi_reduction <add>, %squeeze3A_64, %reduce_sum3A_65 [0] : vector<128x32xf32> to vector<32xf32>
    %broadcast_in_dim3A_67 = vector.shape_cast %reduce_sum3A_66 : vector<32xf32> to vector<1x32xf32>
    %div3A_68 = arith.constant 2.621440e+05 : f32
    %div3A_69 = vector.broadcast %div3A_68 : f32 to vector<1x32xf32>
    %div3A_70 = arith.divf %broadcast_in_dim3A_67, %div3A_69 : vector<1x32xf32>
    %mul3A_71 = arith.mulf %div3A_62, %div3A_62 : vector<1x32xf32>
    %sub3A_72 = arith.subf %div3A_70, %mul3A_71 : vector<1x32xf32>
    %add3A_73 = arith.constant 9.99999974E-6 : f32
    %add3A_74 = vector.broadcast %add3A_73 : f32 to vector<1x32xf32>
    %add3A_75 = arith.addf %sub3A_72, %add3A_74 : vector<1x32xf32>
    %rsqrt3A_76 = math.rsqrt %add3A_75 : vector<1x32xf32>
    %sub3A_77 = vector.broadcast %div3A_62 : vector<1x32xf32> to vector<2048x32xf32>
    %sub3A_78 = arith.subf %dot_general3A_50, %sub3A_77 : vector<2048x32xf32>
    %mul3A_79 = vector.broadcast %rsqrt3A_76 : vector<1x32xf32> to vector<2048x32xf32>
    %mul3A_80 = arith.mulf %sub3A_78, %mul3A_79 : vector<2048x32xf32>
    %get3A_81 = arith.constant 0 : index
    %get3A_82 = arith.constant 0 : index
    %get3A_83 = vector.load %arg8[%get3A_81, %get3A_82] : memref<1x32xf32, #tpu.memory_space<vmem>>, vector<1x32xf32>
    %mul3A_84 = vector.broadcast %get3A_83 : vector<1x32xf32> to vector<2048x32xf32>
    %mul3A_85 = arith.mulf %mul3A_80, %mul3A_84 : vector<2048x32xf32>
    %get3A_86 = arith.constant 0 : index
    %get3A_87 = arith.constant 0 : index
    %get3A_88 = vector.load %arg9[%get3A_86, %get3A_87] : memref<1x32xf32, #tpu.memory_space<vmem>>, vector<1x32xf32>
    %add3A_89 = vector.broadcast %get3A_88 : vector<1x32xf32> to vector<2048x32xf32>
    %add3A_90 = arith.addf %mul3A_85, %add3A_89 : vector<2048x32xf32>
    %max3A_91 = arith.constant 0.000000e+00 : f32
    %max3A_92 = vector.broadcast %max3A_91 : f32 to vector<2048x32xf32>
    %max3A_93 = arith.maximumf %add3A_90, %max3A_92 : vector<2048x32xf32>
    %get3A_94 = arith.constant 0 : index
    %get3A_95 = arith.constant 0 : index
    %get3A_96 = vector.load %arg5[%get3A_94, %get3A_95] : memref<64x32xf32, #tpu.memory_space<vmem>>, vector<64x32xf32>
    %dot_general3A_97 = arith.constant dense<0.000000e+00> : vector<2048x64xf32>
    %dot_general3A_98 = tpu.matmul %max3A_93, %get3A_96, %dot_general3A_97 {dimension_numbers = #tpu.dot_dimension_numbers<[1], [1], [0], [0], [0, 0, 1, 0], [], []>, transpose_lhs_hint = false} : vector<2048x32xf32>, vector<64x32xf32>, vector<2048x64xf32> -> vector<2048x64xf32>
    %reshape3A_99 = vector.shape_cast %dot_general3A_98 : vector<2048x64xf32> to vector<64x32x64xf32>
    %reduce_max3A = arith.constant dense<0xFF800000> : vector<64x64xf32>
    %reduce_max3A_100 = vector.multi_reduction <maximumf>, %reshape3A_99, %reduce_max3A [1] : vector<64x32x64xf32> to vector<64x64xf32>
    %get3A_101 = arith.constant 0 : index
    %get3A_102 = arith.constant 0 : index
    %get3A_103 = arith.constant 0 : index
    %get3A_104 = vector.load %arg14[%get3A_101, %get3A_102, %get3A_103] : memref<128x2x64xf32, #tpu.memory_space<vmem>>, vector<128x2x64xf32>
    %slice3A_105 = vector.extract_strided_slice %get3A_104 {offsets = [0, 0, 0], sizes = [128, 1, 64], strides = [1, 1, 1]} : vector<128x2x64xf32> to vector<128x1x64xf32>
    %squeeze3A_106 = vector.shape_cast %slice3A_105 : vector<128x1x64xf32> to vector<128x64xf32>
    %reduce_sum3A_107 = arith.constant dense<0.000000e+00> : vector<64xf32>
    %reduce_sum3A_108 = vector.multi_reduction <add>, %squeeze3A_106, %reduce_sum3A_107 [0] : vector<128x64xf32> to vector<64xf32>
    %broadcast_in_dim3A_109 = vector.shape_cast %reduce_sum3A_108 : vector<64xf32> to vector<1x64xf32>
    %div3A_110 = arith.constant 2.621440e+05 : f32
    %div3A_111 = vector.broadcast %div3A_110 : f32 to vector<1x64xf32>
    %div3A_112 = arith.divf %broadcast_in_dim3A_109, %div3A_111 : vector<1x64xf32>
    %slice3A_113 = vector.extract_strided_slice %get3A_104 {offsets = [0, 1, 0], sizes = [128, 1, 64], strides = [1, 1, 1]} : vector<128x2x64xf32> to vector<128x1x64xf32>
    %squeeze3A_114 = vector.shape_cast %slice3A_113 : vector<128x1x64xf32> to vector<128x64xf32>
    %reduce_sum3A_115 = arith.constant dense<0.000000e+00> : vector<64xf32>
    %reduce_sum3A_116 = vector.multi_reduction <add>, %squeeze3A_114, %reduce_sum3A_115 [0] : vector<128x64xf32> to vector<64xf32>
    %broadcast_in_dim3A_117 = vector.shape_cast %reduce_sum3A_116 : vector<64xf32> to vector<1x64xf32>
    %div3A_118 = arith.constant 2.621440e+05 : f32
    %div3A_119 = vector.broadcast %div3A_118 : f32 to vector<1x64xf32>
    %div3A_120 = arith.divf %broadcast_in_dim3A_117, %div3A_119 : vector<1x64xf32>
    %mul3A_121 = arith.mulf %div3A_112, %div3A_112 : vector<1x64xf32>
    %sub3A_122 = arith.subf %div3A_120, %mul3A_121 : vector<1x64xf32>
    %add3A_123 = arith.constant 9.99999974E-6 : f32
    %add3A_124 = vector.broadcast %add3A_123 : f32 to vector<1x64xf32>
    %add3A_125 = arith.addf %sub3A_122, %add3A_124 : vector<1x64xf32>
    %rsqrt3A_126 = math.rsqrt %add3A_125 : vector<1x64xf32>
    %sub3A_127 = vector.broadcast %div3A_112 : vector<1x64xf32> to vector<64x64xf32>
    %sub3A_128 = arith.subf %reduce_max3A_100, %sub3A_127 : vector<64x64xf32>
    %mul3A_129 = vector.broadcast %rsqrt3A_126 : vector<1x64xf32> to vector<64x64xf32>
    %mul3A_130 = arith.mulf %sub3A_128, %mul3A_129 : vector<64x64xf32>
    %get3A_131 = arith.constant 0 : index
    %get3A_132 = arith.constant 0 : index
    %get3A_133 = vector.load %arg10[%get3A_131, %get3A_132] : memref<1x64xf32, #tpu.memory_space<vmem>>, vector<1x64xf32>
    %mul3A_134 = vector.broadcast %get3A_133 : vector<1x64xf32> to vector<64x64xf32>
    %mul3A_135 = arith.mulf %mul3A_130, %mul3A_134 : vector<64x64xf32>
    %get3A_136 = arith.constant 0 : index
    %get3A_137 = arith.constant 0 : index
    %get3A_138 = vector.load %arg11[%get3A_136, %get3A_137] : memref<1x64xf32, #tpu.memory_space<vmem>>, vector<1x64xf32>
    %add3A_139 = vector.broadcast %get3A_138 : vector<1x64xf32> to vector<64x64xf32>
    %add3A_140 = arith.addf %mul3A_135, %add3A_139 : vector<64x64xf32>
    %max3A_141 = arith.constant 0.000000e+00 : f32
    %max3A_142 = vector.broadcast %max3A_141 : f32 to vector<64x64xf32>
    %max3A_143 = arith.maximumf %add3A_140, %max3A_142 : vector<64x64xf32>
    %swap3A = arith.constant 0 : index
    %swap3A_144 = arith.constant 0 : index
    %swap3A_145 = vector.load %arg15[%swap3A, %swap3A_144] : memref<64x64xf32, #tpu.memory_space<vmem>>, vector<64x64xf32>
    tpu.vector_store %arg15[%swap3A, %swap3A_144], %max3A_143 {strides = array<i32>} : memref<64x64xf32, #tpu.memory_space<vmem>>, vector<64x64xf32>,
    return
  }
  func.func @transform_0(%arg0: i32) -> (i32, i32) {
    %c0_i32 = arith.constant 0 : i32
    %c0_i32_0 = arith.constant 0 : i32
    return %arg0, %c0_i32 : i32, i32
  }
  func.func @transform_1(%arg0: i32) -> (i32, i32) {
    %c0_i32 = arith.constant 0 : i32
    %c0_i32_0 = arith.constant 0 : i32
    return %arg0, %c0_i32 : i32, i32
  }
  func.func @transform_2(%arg0: i32) -> (i32, i32) {
    %c0_i32 = arith.constant 0 : i32
    %c0_i32_0 = arith.constant 0 : i32
    %c0_i32_1 = arith.constant 0 : i32
    return %c0_i32, %c0_i32_0 : i32, i32
  }
  func.func @transform_3(%arg0: i32) -> (i32, i32) {
    %c0_i32 = arith.constant 0 : i32
    %c0_i32_0 = arith.constant 0 : i32
    %c0_i32_1 = arith.constant 0 : i32
    return %c0_i32, %c0_i32_0 : i32, i32
  }
  func.func @transform_4(%arg0: i32) -> (i32, i32) {
    %c0_i32 = arith.constant 0 : i32
    %c0_i32_0 = arith.constant 0 : i32
    %c0_i32_1 = arith.constant 0 : i32
    return %c0_i32, %c0_i32_0 : i32, i32
  }
  func.func @transform_5(%arg0: i32) -> (i32, i32) {
    %c0_i32 = arith.constant 0 : i32
    %c0_i32_0 = arith.constant 0 : i32
    %c0_i32_1 = arith.constant 0 : i32
    return %c0_i32, %c0_i32_0 : i32, i32
  }
  func.func @transform_6(%arg0: i32) -> (i32, i32) {
    %c0_i32 = arith.constant 0 : i32
    %c0_i32_0 = arith.constant 0 : i32
    %c0_i32_1 = arith.constant 0 : i32
    return %c0_i32, %c0_i32_0 : i32, i32
  }
  func.func @transform_7(%arg0: i32) -> (i32, i32) {
    %c0_i32 = arith.constant 0 : i32
    %c0_i32_0 = arith.constant 0 : i32
    %c0_i32_1 = arith.constant 0 : i32
    return %c0_i32, %c0_i32_0 : i32, i32
  }
  func.func @transform_8(%arg0: i32) -> (i32, i32) {
    %c0_i32 = arith.constant 0 : i32
    %c0_i32_0 = arith.constant 0 : i32
    %c0_i32_1 = arith.constant 0 : i32
    return %c0_i32, %c0_i32_0 : i32, i32
  }
  func.func @transform_9(%arg0: i32) -> (i32, i32) {
    %c0_i32 = arith.constant 0 : i32
    %c0_i32_0 = arith.constant 0 : i32
    %c0_i32_1 = arith.constant 0 : i32
    return %c0_i32, %c0_i32_0 : i32, i32
  }
  func.func @transform_10(%arg0: i32) -> (i32, i32) {
    %c0_i32 = arith.constant 0 : i32
    %c0_i32_0 = arith.constant 0 : i32
    %c0_i32_1 = arith.constant 0 : i32
    return %c0_i32, %c0_i32_0 : i32, i32
  }
  func.func @transform_11(%arg0: i32) -> (i32, i32, i32) {
    %c0_i32 = arith.constant 0 : i32
    %c0_i32_0 = arith.constant 0 : i32
    %c0_i32_1 = arith.constant 0 : i32
    %c0_i32_2 = arith.constant 0 : i32
    return %c0_i32, %c0_i32_0, %c0_i32_1 : i32, i32, i32
  }
  func.func @transform_12(%arg0: i32) -> (i32, i32, i32) {
    %c0_i32 = arith.constant 0 : i32
    %c0_i32_0 = arith.constant 0 : i32
    %c0_i32_1 = arith.constant 0 : i32
    %c0_i32_2 = arith.constant 0 : i32
    return %c0_i32, %c0_i32_0, %c0_i32_1 : i32, i32, i32
  }
  func.func @transform_13(%arg0: i32) -> (i32, i32, i32) {
    %c0_i32 = arith.constant 0 : i32
    %c0_i32_0 = arith.constant 0 : i32
    %c0_i32_1 = arith.constant 0 : i32
    %c0_i32_2 = arith.constant 0 : i32
    return %c0_i32, %c0_i32_0, %c0_i32_1 : i32, i32, i32
  }
  func.func @transform_14(%arg0: i32) -> (i32, i32) {
    %c0_i32 = arith.constant 0 : i32
    %c0_i32_0 = arith.constant 0 : i32
    return %arg0, %c0_i32 : i32, i32
  }
}

</mosaic_0001>

<sc_bundles>
// kernel: kernel.9.cloned.1.call-start
scs
__scs_entry_jumppad:
0x0: {  	(pc) =	sbr.rel $0x88, $3  }
0x1: {  	(tag) =	ssettag $0x0;
	lr =	simm.s32 $0x1  }
0x2: {  	[smem:$0x3F96] =	sst lr;
	_ =	strace $0xD0000000  }
0x3: {  	_ = 	snop  }
0x4: {  	_ = 	snop  }
0x5: {  	_ = 	snop  }
0x6: {  	_ = 	snop  }
0x7: {  	_ = 	snop  }
__scs_overlays_trampoline_lowered:
0x8: {  	[smem:$0x3FA5] =	sst s0  }
0x9: {  	[smem:$0x3FA6] =	sst s1  }
0xa: {  	[smem:$0x3FA7] =	sst s2  }
0xb: {  	[smem:$0x3FA8] =	sst s3  }
0xc: {  	[smem:$0x3FA9] =	sst s4  }
0xd: {  	[smem:$0x3FAA] =	sst s5  }
0xe: {  	[smem:$0x3FAB] =	sst s6  }
0xf: {  	[smem:$0x3FAC] =	sst s7  }
0x10: {  	[smem:$0x3FAD] =	sst s8  }
0x11: {  	[smem:$0x3FAE] =	sst s9;
	s0 =	simm.s32 @!p0 $0x0  }
0x12: {  	s1 =	sld [smem:$0x3F94];
	s0 =	simm.s32 @p0 $0x1  }
0x13: {  	[smem:$0x3FAF] =	sst s0;
	s0 =	simm.s32 @!p1 $0x0  }
0x14: {  	s2 =	sld [smem:$0x3F93];
	s0 =	simm.s32 @p1 $0x1  }
0x15: {  	[smem:$0x3FB0] =	sst s0;
	s0 =	simm.s32 @!p2 $0x0  }
0x16: {  	s3 =	sld [smem:$0x3FDB];
	s0 =	simm.s32 @p2 $0x1  }
0x17: {  	s4 =	simm.s32 $0x1BF5;
	[smem:$0x3FB2] =	sst s0  }
0x18: {  	s0 =	sld [smem:$0x3F95];
	_ =	swait.ge [sflag:s4], $0x0  }
0x19: {  	s7 =	sld [smem:$0x3F96]  }
0x1a: {  	s8 =	sadd.s32 $0xFFFFE003, lr  }
0x1b: {  	s9 =	sadd.s32 $0xFFFFFEF7, lr;
	s5 =	simm.s32 $0xFFFFFFFF;
	p2 =	slt.u32 s8, $0xFFFFF086  }
0x1c: {  	p1 =	slt.u32 s9, $0xF7A;
	s5 =	simm.s32 @!p2 $0x0  }
0x1d: {  	s5 =	simm.s32 @p1 $0x1;
	p0 =	seq.s32 s7, s2  }
0x1e: {  	s7 =	smul.u32 @!p0 $0xF7A, s2;
	p2 =	seq.s32 @!p0 s5, $0x0  }
0x1f: {  	s9 =	smul.u32 $0xF7A, s1;
	s8 =	simm.s32 @!p0 $0x1BF5;
	p2 =	por !p2, p0  }
0x20: {  	[sflag:s8] =	ssyncset.s32 @!p0 $0xFFFFF086;
	s6 =	sadd.s32 @!p0 s3, s7;
	s7 =	simm.s32 @!p0 $0x108  }
0x21: {  	s3 =	sadd.s32 s3, s9;
	s6 =	sadd.s32 @!p0 $0x88, s6;
	s7 =	simm.s32 @p2 $0x1082  }
0x22: {  	[simem:s7], [sflag:s8] =	dma.local @!p0 [hbm:s6], $0xF7A  }
0x23: {  	s9 =	sor.u32 $0xD0000000, s2;
	s6 =	simm.s32 $0x108;
	_ =	swait.ge @!p0 [sflag:s8], $0x0  }
0x24: {  	s3 =	sadd.s32 $0x88, s3;
	s6 =	simm.s32 @!p1 $0x1082;
	[sflag:s4] =	ssyncset.s32 $0xFFFFF086  }
0x25: {  	[simem:s6], [sflag:s4] =	dma.local [hbm:s3], $0xF7A  }
0x26: {  	[smem:$0x3F96] =	sst s1;
	(tag) =	ssettag s2;
	_ =	strace s9  }
0x27: {  	s1 =	sld [smem:$0x3FA6]  }
0x28: {  	s2 =	sld [smem:$0x3FA7]  }
0x29: {  	s4 =	sld [smem:$0x3FA9]  }
0x2a: {  	p0 =	seq.s32 s5, $0x0;
	s5 =	sld [smem:$0x3FAA]  }
0x2b: {  	s6 =	sld [smem:$0x3FAB]  }
0x2c: {  	s7 =	sld [smem:$0x3FAC]  }
0x2d: {  	s3 =	simm.s32 $0x108;
	s8 =	sld [smem:$0x3FAD]  }
0x2e: {  	s3 =	simm.s32 @!p0 $0x1082;
	s9 =	sld [smem:$0x3FAE]  }
0x2f: {  	lr =	sadd.s32 s0, s3;
	s0 =	sld [smem:$0x3FA5]  }
0x30: {  	s3 =	sld [smem:$0x3FA8]  }
0x31: {  	[smem:$0x3FB1] =	sst s10  }
0x32: {  	s10 =	sld [smem:$0x3FAF];
	_ =	sdelay $0x3  }
0x33: {  	p0 =	seq.s32 s10, $0x1;
	s10 =	sld [smem:$0x3FB1];
	_ =	sdelay $0x3  }
0x34: {  	[smem:$0x3FB1] =	sst s10  }
0x35: {  	s10 =	sld [smem:$0x3FB0];
	_ =	sdelay $0x3  }
0x36: {  	p1 =	seq.s32 s10, $0x1;
	s10 =	sld [smem:$0x3FB1];
	_ =	sdelay $0x3  }
0x37: {  	[smem:$0x3FB1] =	sst s10  }
0x38: {  	s10 =	sld [smem:$0x3FB2]  }
0x39: {  	_ = 	snop;
	(pc) =	sbr.ind lr, $3  }
0x3a: {  	_ = 	snop  }
0x3b: {  	_ = 	snop  }
0x3c: {  	p2 =	seq.s32 s10, $0x1;
	s10 =	sld [smem:$0x3FB1]  }
0x3d: {  	_ =	shalt  }
0x3e: {  	_ =	shalt  }
0x3f: {  	_ =	shalt  }
0x40: {  	_ =	shalt  }
0x41: {  	_ =	shalt  }
0x42: {  	_ =	shalt  }
0x43: {  	_ =	shalt  }
0x44: {  	_ =	shalt  }
0x45: {  	_ =	shalt  }
0x46: {  	_ =	shalt  }
0x47: {  	_ =	shalt  }
0x48: {  	_ =	shalt  }
0x49: {  	_ =	shalt  }
0x4a: {  	_ =	shalt  }
0x4b: {  	_ =	shalt  }
0x4c: {  	_ =	shalt  }
0x4d: {  	_ =	shalt  }
0x4e: {  	_ =	shalt  }
0x4f: {  	_ =	shalt  }
0x50: {  	_ =	shalt  }
0x51: {  	_ =	shalt  }
0x52: {  	_ =	shalt  }
0x53: {  	_ =	shalt  }
0x54: {  	_ =	shalt  }
0x55: {  	_ =	shalt  }
0x56: {  	_ =	shalt  }
0x57: {  	_ =	shalt  }
0x58: {  	_ =	shalt  }
0x59: {  	_ =	shalt  }
0x5a: {  	_ =	shalt  }
0x5b: {  	_ =	shalt  }
0x5c: {  	_ =	shalt  }
0x5d: {  	_ =	shalt  }
0x5e: {  	_ =	shalt  }
0x5f: {  	_ =	shalt  }
0x60: {  	_ =	shalt  }
0x61: {  	_ =	shalt  }
0x62: {  	_ =	shalt  }
0x63: {  	_ =	shalt  }
0x64: {  	_ =	shalt  }
0x65: {  	_ =	shalt  }
0x66: {  	_ =	shalt  }
0x67: {  	_ =	shalt  }
0x68: {  	_ =	shalt  }
0x69: {  	_ =	shalt  }
0x6a: {  	_ =	shalt  }
0x6b: {  	_ =	shalt  }
0x6c: {  	_ =	shalt  }
0x6d: {  	_ =	shalt  }
0x6e: {  	_ =	shalt  }
0x6f: {  	_ =	shalt  }
0x70: {  	_ =	shalt  }
0x71: {  	_ =	shalt  }
0x72: {  	_ =	shalt  }
0x73: {  	_ =	shalt  }
0x74: {  	_ =	shalt  }
0x75: {  	_ =	shalt  }
0x76: {  	_ =	shalt  }
0x77: {  	_ =	shalt  }
0x78: {  	_ =	shalt  }
0x79: {  	_ =	shalt  }
0x7a: {  	_ =	shalt  }
0x7b: {  	_ =	shalt  }
0x7c: {  	_ =	shalt  }
0x7d: {  	_ =	shalt  }
0x7e: {  	_ =	shalt  }
0x7f: {  	_ =	shalt  }
0x80: {  	_ =	shalt  }
0x81: {  	_ =	shalt  }
0x82: {  	_ =	shalt  }
0x83: {  	_ =	shalt  }
0x84: {  	_ =	shalt  }
0x85: {  	_ =	shalt  }
0x86: {  	_ =	shalt  }
0x87: {  	_ =	shalt  }
.Lfunc_end0:
.L_simem_size_0:
called_computation_lowered:
.L_overlay_start_0:
0x88: {  	s2 =	sld [smem:$0x3FD9]  }
0x89: {  	s3 =	sld [smem:$0x3FFE];
	_ =	sdelay $0x1  }
0x8a: {  	s1 =	srdreg.scid  }
0x8b: {  	s0 =	sand.u32 $0x1, s1  }
0x8c: {  	s14 =	sshll.u32 s0, $0xA;
	s2 =	sadd.s32 s3, s2  }
0x8d: {  	s2 =	sadd.s32 s2, s14  }
0x8e: {  	[smem:$0x3FBD] =	sst s2  }
0x8f: {  	_ = 	snop  }
0x90: {  	s2 =	sld [smem:$0x3FD0];
	_ =	sdelay $0x2  }
0x91: {  	s15 =	simm.s32 $0xA;
	s4 =	simm.s32 $0x10  }
0x92: {  	[smem:s4], [sflag:s15] =	dma.local [hbm:s2], $0x1  }
0x93: {  	_ =	swait.eq [sflag:s15], $0x1  }
0x94: {  	[sflag:s15] =	ssyncset.done $0x0  }
0x95: {  	[sflag:s15] =	ssyncadd.s32 $0xFFFFFFFF  }
0x96: {  	s16 =	sld [smem:$0x11];
	(tm) =	ssettm $0x1  }
0x97: {  	s17 =	sld [smem:$0x3FFB];
	_ =	sdelay $0x3  }
0x98: {  	_ =	strace s17  }
0x99: {  	s3 =	sld [smem:$0x3FFC];
	_ =	sdelay $0x3  }
0x9a: {  	_ =	strace s3  }
0x9b: {  	s3 =	sld [smem:$0x3FFD];
	_ =	sdelay $0x3  }
0x9c: {  	_ =	strace s3  }
0x9d: {  	_ =	strace $0x8FFFFFFF  }
0x9e: {  	s18 =	sld [smem:$0x3FDB];
	_ =	sdelay $0x1  }
0x9f: {  	s19 =	simm.s32 $_scs_section_size  }
0xa0: {  	s5 =	simm.s32 $_size__tile_overlayer_lowered;
	s6 =	simm.s32 $_tile_overlayer_lowered  }
0xa1: {  	s22 =	simm.s32 $0x1BFF;
	s21 =	sshll.u32 s6, $0x1;
	s3 =	sadd.s32 s19, s18  }
0xa2: {  	s7 =	simm.s32 $0x0;
	s20 =	sshll.u32 s5, $0x1;
	s5 =	sadd.s32 s21, s3  }
0xa3: {  	[timem:s7], [sflag:s22] =	dma.local [hbm:s5], s20  }
0xa4: {  	_ =	swait.ge [sflag:s22], s20  }
0xa5: {  	s4 =	ssub.s32 $0x0, s20;
	[sflag:s22] =	ssyncset.done $0x0  }
0xa6: {  	[sflag:s22] =	ssyncadd.s32 s4;
	_ =	sdelay $0x1  }
0xa7: {  	s23 =	simm.s32 $0x1B8B  }
0xa8: {  	_ =	swait.ge [sflag:s23], $0x1  }
0xa9: {  	[sflag:s23] =	ssyncset.done $0x0  }
0xaa: {  	s25 =	simm.s32 $0x1B8E;
	s24 =	sld [smem:$0x3FFE];
	[sflag:s23] =	ssyncadd.s32 $0xFFFFFFFF  }
0xab: {  	s26 =	simm.s32 $execute0_lowered;
	[smem:$0x3FD2] =	sst s25  }
0xac: {  	s5 =	sshll.u32 s26, $0x1;
	_ =	strace $0x80000046;
	[dreg:$0x1] =	wrdreg $0xFFFFFFFF  }
0xad: {  	s28 =	simm.s32 $_size_execute0_lowered;
	s3 =	sadd.s32 s3, s5;
	[dreg:$0x0] =	wrdreg $0x0  }
0xae: {  	s5 =	sshll.u32 s28, $0x1;
	[dreg:$0x2] =	wrdreg s3  }
0xaf: {  	[dreg:$0x3] =	wrdreg s5  }
0xb0: {  	[dreg:$0x4] =	wrdreg $0xC0  }
0xb1: {  	_ =	task [dreg:s7], $0x5FFFF  }
0xb2: {  	[dreg:$0x1] =	wrdreg $0xFFFFFFFF  }
0xb3: {  	[dreg:$0x0] =	wrdreg $0x60  }
0xb4: {  	[dreg:$0x2] =	wrdreg s24  }
0xb5: {  	[dreg:$0x3] =	wrdreg s16  }
0xb6: {  	[dreg:$0x4] =	wrdreg $0x9  }
0xb7: {  	_ =	task.clear_ibuf [dreg:s7], $0x5FFFF;
	_ =	strace $0x90000046  }
0xb8: {  	s29 =	simm.s32 $0x9;
	_ =	strace $0x80000048  }
0xb9: {  	_ =	swait.ge [sflag:s29], $0x1  }
0xba: {  	[sflag:s29] =	ssyncadd.s32 $0xFFFFFFFF  }
0xbb: {  	_ =	strace $0x90000048  }
0xbc: {  	_ =	sfence  }
0xbd: {  	s30 =	sld [smem:$0x0];
	_ =	sdelay $0x2  }
0xbe: {  	s31 =	sshll.u32 s1, $0xD;
	s1 =	sshrl.u32 s1, $0x2  }
0xbf: {  	s3 =	sand.u32 $0x4000, s31;
	s1 =	sadd.s32 s1, s30  }
0xc0: {  	s0 =	sor.u32 s3, s0;
	s1 =	sshll.u32 s1, $0x11  }
0xc1: {  	s0 =	sor.u32 s1, s0  }
0xc2: {  	s0 =	sadd.s32 $0x8F2B, s0  }
0xc3: {  	[sflag:s0] =	ssyncadd.remote.s32 $0x1  }
0xc4: {  	_ =	sfence.sel $0xFFFF  }
0xc5: {  	[dreg:$0x0] =	wrdreg $0xFFFFFFFF;
	(pc) =	sbr.abs _section_cstart, $3  }
0xc6: {  	[dreg:$0x1] =	wrdreg $0xFFFFFFFF  }
0xc7: {  	_ =	task.clear_ibuf [dreg:s7], $0x2FFFF;
	_ =	strace $0x9FFFFFFF  }
0xc8: {  	(tm) =	ssettm $0x7FFFFFFF  }
0xc9: {  	_ =	shalt  }
tec
execute0_lowered:
.L_overlay_start_1:
0x0: {  	(tag) =	ssettag $0x1  }
0x1: {  	s4 =	rddreg [dreg:$0x0]  }
0x2: {  	s6 =	rddreg [dreg:$0x1]  }
0x3: {  	s0 =	rddreg [dreg:$0x2];
	s2 =	simm.s32 $0x0;
	s1 =	stileid.u32  }
0x4: {  	s3 =	srdreg.scid;
	[smem:$0x7FF] =	sst s2  }
0x5: {  	s5 =	sshll.u32 s1, $0x12;
	s7 =	sand.u32 $0x1, s3;
	s3 =	sadd.s32 $0x222400, s4  }
0x6: {  	s9 =	sshll.u32 s1, $0xE;
	_ =	strace $0x80000047;
	s5 =	sadd.s32 s5, s4  }
0x7: {  	s29 =	ssub.s32 $0x2, s7;
	s10 =	sshll.u32 s7, $0xD;
	s7 =	sshll.u32 s7, $0x11  }
0x8: {  	s8 =	sshrl.u32 s29, $0x1;
	s30 =	sor.u32 s10, s9;
	s5 =	sadd.s32 s7, s5  }
0x9: {  	s7 =	simm.s32 $0x2;
	s9 =	simm.s32 $0x1;
	s10 =	simm.s32 $0x0  }
0xa: {  	s4 =	ssub.s32 s29, s8;
	s31 =	sshrl.u32 s30, $0x3;
	s5 =	sadd.s32 $0x322400, s5  }
0xb: {  	s8 =	simm.s32 $0x100;
	s4 =	smax.u32 s4, $0x1;
	s6 =	sadd.s32 s31, s6  }
.LBB2_1:
0xc: {  	s11 =	sadd.s32 $0x0, s6  }
0xd: {  	[tilespmem:s2], [sflag:$0x2] =	stream.linear.gather [hbm4b:s11+s2], $0x100, $0x38;
	[tilespmem:$0x8100] =	vst v63  }
0xe: {  	_ =	swait.ge [sflag:s7], $0x100  }
0xf: {  	[sflag:s7] =	ssyncset.done $0x0  }
0x10: {  	[sflag:s7] =	ssyncadd.s32 $0xFFFFFF00  }
0x11: {  	[tilespmem:s8], [sflag:$0x1] =	stream.indirect.gather [hbm4b:s3+s8], $0x80, s2, s8, $0xb8;
	[tilespmem:$0x8100] =	vst v63  }
0x12: {  	_ =	swait.ge [sflag:s9], $0x8000  }
0x13: {  	[sflag:s9] =	ssyncset.done $0x0  }
0x14: {  	[sflag:s9] =	ssyncadd.s32 $0xFFFF8000  }
0x15: {  	[hbm4b:s5+s2] =	stream.linear.scatter [tilespmem:s8], [sflag:$0x2], $0x8000, $0x38;
	[tilespmem:$0x8100] =	vst v63  }
0x16: {  	s12 =	simm.s32 $0x20;
	_ =	swait.ge [sflag:s7], $0x8000  }
0x17: {  	s13 =	simm.s32 $0x40;
	s11 =	sadd.s32 $0x1000, s5;
	[sflag:s7] =	ssyncset.done $0x0  }
.LBB2_2:
0x18: {  	s14 =	sadd.s32 s12, s6  }
0x19: {  	[sflag:s7] =	ssyncadd.s32 $0xFFFF8000;
	s12 =	smov.u32 s13;
	s15 =	sadd.s32 $0x20, s13  }
0x1a: {  	[tilespmem:s2], [sflag:$0x2] =	stream.linear.gather [hbm4b:s14+s2], $0x100, $0x38;
	[tilespmem:$0x8100] =	vst v63  }
0x1b: {  	p0 =	sne.s32 s13, $0x3E0;
	_ =	swait.ge [sflag:s7], $0x100  }
0x1c: {  	[sflag:s7] =	ssyncset.done $0x0  }
0x1d: {  	[sflag:s7] =	ssyncadd.s32 $0xFFFFFF00  }
0x1e: {  	[tilespmem:s8], [sflag:$0x1] =	stream.indirect.gather [hbm4b:s3+s8], $0x80, s2, s8, $0xb8;
	[tilespmem:$0x8100] =	vst v63  }
0x1f: {  	_ =	swait.ge [sflag:s9], $0x8000  }
.Ltmp0:
0x20: {  	[sflag:s9] =	ssyncset.done $0x0;
	(pc) =	sbr.rel @p0 .LBB2_2-.Ltmp0, $4  }
0x21: {  	[sflag:s9] =	ssyncadd.s32 $0xFFFF8000  }
0x22: {  	[hbm4b:s11+s2] =	stream.linear.scatter [tilespmem:s8], [sflag:$0x2], $0x8000, $0x38;
	[tilespmem:$0x8100] =	vst v63  }
0x23: {  	_ =	swait.ge [sflag:s7], $0x8000  }
0x24: {  	s13 =	smov.u32 s15;
	s11 =	sadd.s32 $0x1000, s11;
	[sflag:s7] =	ssyncset.done $0x0  }
0x25: {  	s12 =	sadd.s32 s12, s6;
	[sflag:s7] =	ssyncadd.s32 $0xFFFF8000  }
0x26: {  	[tilespmem:s2], [sflag:$0x2] =	stream.linear.gather [hbm4b:s12+s2], $0x100, $0x38;
	[tilespmem:$0x8100] =	vst v63  }
0x27: {  	_ =	swait.ge [sflag:s7], $0x100  }
0x28: {  	[sflag:s7] =	ssyncset.done $0x0  }
0x29: {  	[sflag:s7] =	ssyncadd.s32 $0xFFFFFF00  }
0x2a: {  	[tilespmem:s8], [sflag:$0x1] =	stream.indirect.gather [hbm4b:s3+s8], $0x80, s2, s8, $0xb8;
	[tilespmem:$0x8100] =	vst v63  }
0x2b: {  	s10 =	sadd.s32 $0x1, s10;
	_ =	swait.ge [sflag:s9], $0x8000  }
0x2c: {  	p0 =	sne.s32 s10, s4;
	[sflag:s9] =	ssyncset.done $0x0  }
.Ltmp1:
0x2d: {  	[sflag:s9] =	ssyncadd.s32 $0xFFFF8000;
	(pc) =	sbr.rel @p0 .LBB2_1-.Ltmp1, $4  }
0x2e: {  	[hbm4b:s11+s2] =	stream.linear.scatter [tilespmem:s8], [sflag:$0x2], $0x8000, $0x38;
	[tilespmem:$0x8100] =	vst v63  }
0x2f: {  	_ =	swait.ge [sflag:s7], $0x8000  }
0x30: {  	[sflag:s7] =	ssyncset.done $0x0  }
0x31: {  	[sflag:s7] =	ssyncadd.s32 $0xFFFF8000  }
0x32: {  	_ =	sfence.sel $0x180000  }
0x33: {  	[bflag:$0x0] =	sbarrier.arrive $0xFFFF  }
0x34: {  	p0 =	sne.s32 s1, $0x0;
	_ =	strace $0x90000047  }
0x35: {  	s0 =	sadd.s32 @!p0 $0x100000, s0;
	[bflag:$0x2] =	sbarrier.arrive $0xFFFF  }
0x36: {  	[sflag:s0] =	ssyncadd.tile.s32 @!p0 $0x1;
	_ =	shalt  }
.Lfunc_end2:
_tile_overlayer_lowered:
.L_overlay_start_2:
0x37: {  	(tag) =	ssettag $0x2  }
0x38: {  	s0 =	rddreg [dreg:$0x0];
	s2 =	stileid.u32  }
0x39: {  	s1 =	rddreg [dreg:$0x1];
	p0 =	sne.s32 s2, $0x0  }
0x3a: {  	s3 =	rddreg [dreg:$0x2];
	[bflag:$0x3] =	sbarrier.arrive $0xFFFF;
	s2 =	simm.s32 @!p0 $0x1C02  }
0x3b: {  	[timem:s3], [sflag:s2] =	dma.local @!p0 [hbm:s0], s1  }
0x3c: {  	s0 =	simm.s32 @!p0 $0x2  }
0x3d: {  	_ =	swait.ge @!p0 [sflag:s0], s1  }
0x3e: {  	s1 =	ssub.s32 @!p0 $0x0, s1;
	[sflag:s0] =	ssyncset.done @!p0 $0x0  }
0x3f: {  	[sflag:s0] =	ssyncadd.s32 @!p0 s1  }
0x40: {  	[bflag:$0x3] =	sbarrier.arrive $0xFFFF  }
0x41: {  	_ =	shalt  }

</sc_bundles>
